<compile_context>
chip_gen: v7x
topology: tpu7x:2x2x1
jax: 0.10.2.dev20260603
libtpu: 0.0.44.dev20260713+nightly
codegen_flags: <defaults>
</compile_context>

<pallas_src>
import jax
import jax.numpy as jnp
from jax import lax
from jax.experimental import pallas as pl
from jax.experimental.pallas import tpu as pltpu
from jax.experimental.pallas import tpu_sc as plsc

N_NODES = 10000
N_EDGES = 320000
H = 128
HC = H // 2
R = 8

NC = 2
NS = 16
CHUNK = 128
CHUNKS_PER_TILE = 157
EDGES_PER_TILE = CHUNKS_PER_TILE * CHUNK
E_PAD = EDGES_PER_TILE * NS
ACC_ROWS = 10240
ROWS_PER_TILE = ACC_ROWS // NS
DEG_W = 16


def _xw_body(wc_ref, bases_ref, h_ref, src_ref, type_ref, xw_ref, flat_ref):
    r = pl.program_id(0)
    w = (wc_ref[r, 0] * bases_ref[0] + wc_ref[r, 1] * bases_ref[1]
         + wc_ref[r, 2] * bases_ref[2] + wc_ref[r, 3] * bases_ref[3])
    xw_ref[0] = jnp.dot(h_ref[...], w, preferred_element_type=jnp.float32)

    @pl.when(r == 0)
    def _flat():
        flat2 = (type_ref[...] * N_NODES + src_ref[...]) * 2
        flat_ref[: E_PAD // 128] = flat2
        flat_ref[E_PAD // 128 :] = flat2 + 1


def _norm_body(pacc_ref, pdeg_ref, out_ref):
    d = jnp.sum(pdeg_ref[:, :N_NODES], axis=0)[:, None]
    inv = 1.0 / jnp.maximum(d, 1.0)
    out_ref[:, :HC] = pacc_ref[0, :N_NODES, :] * inv
    out_ref[:, HC:] = pacc_ref[1, :N_NODES, :] * inv


def _sc_body(xw_hbm, flat_hbm, dst_hbm, zacc_hbm, zdeg_hbm,
             pacc_hbm, pdeg_hbm,
             fidx_v, dstx_v, rows_a, rows_b, rows_c, rows_d,
             deg_local, acc_sh, sem_a, sem_b, sem_c, sem_d, sem_s):
    c = lax.axis_index("c")
    s = lax.axis_index("s")
    row0 = s * ROWS_PER_TILE
    bufs = (rows_a, rows_b, rows_c, rows_d)
    sems = (sem_a, sem_b, sem_c, sem_d)
    nbuf = len(bufs)
    ones16 = jnp.full((16,), 1.0, jnp.float32)
    cp_f = pltpu.async_copy(flat_hbm.at[c, s], fidx_v, sem_a)
    cp_d = pltpu.async_copy(dst_hbm.at[s], dstx_v, sem_b)
    pltpu.sync_copy(zacc_hbm, rows_a)
    pltpu.sync_copy(zdeg_hbm, deg_local)
    for j in range(ROWS_PER_TILE // CHUNK):
        pltpu.sync_copy(rows_a, acc_sh.at[pl.ds(row0 + j * CHUNK, CHUNK)])
    cp_f.wait()
    cp_d.wait()
    plsc.subcore_barrier()

    for k in range(nbuf):
        pltpu.async_copy(xw_hbm.at[fidx_v.at[k]], bufs[k], sems[k])

    @pl.loop(0, CHUNKS_PER_TILE, step=nbuf)
    def _quad(i):
        for k in range(nbuf):
            def _part(k=k):
                j = i + k
                buf, sem = bufs[k], sems[k]
                pltpu.make_async_copy(xw_hbm.at[fidx_v.at[j]], buf, sem).wait()
                pltpu.async_copy(buf, acc_sh.at[dstx_v.at[j]], sem_s, add=True)

                @pl.when(c == (k % 2))
                def _deg():
                    for l in range(CHUNK // 16):
                        idx16 = dstx_v[j, pl.ds(l * 16, 16)]
                        plsc.addupdate_scatter(deg_local, [idx16], ones16)

                pltpu.make_async_copy(buf, acc_sh.at[dstx_v.at[j]], sem_s).wait()

                @pl.when(j + nbuf < CHUNKS_PER_TILE)
                def _next():
                    pltpu.async_copy(xw_hbm.at[fidx_v.at[j + nbuf]], buf, sem)

            if k == 0:
                _part()
            else:
                pl.when(i + k < CHUNKS_PER_TILE)(_part)

    plsc.subcore_barrier()

    out_off = c * ACC_ROWS + row0
    wb = []
    for j in range(nbuf):
        pltpu.sync_copy(acc_sh.at[pl.ds(row0 + j * CHUNK, CHUNK)], bufs[j])
        wb.append(pltpu.async_copy(
            bufs[j], pacc_hbm.at[pl.ds(out_off + j * CHUNK, CHUNK)], sems[j]))
    wb.append(pltpu.async_copy(deg_local, pdeg_hbm.at[c * NS + s], sem_s))
    j = nbuf
    wb[0].wait()
    pltpu.sync_copy(acc_sh.at[pl.ds(row0 + j * CHUNK, CHUNK)], bufs[0])
    wb.append(pltpu.async_copy(
        bufs[0], pacc_hbm.at[pl.ds(out_off + j * CHUNK, CHUNK)], sem_a))
    for cp in wb[1:]:
        cp.wait()


def kernel(edge_index, edge_type, embed_table, bases1, w_comp1, bases2, w_comp2):
    f32 = jnp.float32
    i32 = jnp.int32
    src = edge_index[0].astype(i32)
    dst = edge_index[1].astype(i32)
    et = edge_type.astype(i32)
    pad = E_PAD - N_EDGES
    src_p = jnp.concatenate([src, jnp.zeros((pad,), i32)]).reshape(E_PAD // 128, 128)
    et_p = jnp.concatenate([et, jnp.zeros((pad,), i32)]).reshape(E_PAD // 128, 128)
    dst_p = jnp.concatenate([dst, jnp.full((pad,), N_NODES, i32)]).reshape(
        NS, CHUNKS_PER_TILE, CHUNK)

    xw, flat2 = pl.pallas_call(
        _xw_body,
        grid=(R,),
        in_specs=[pl.BlockSpec(memory_space=pltpu.SMEM),
                  pl.BlockSpec((4, H, H), lambda r: (0, 0, 0)),
                  pl.BlockSpec((N_NODES, H), lambda r: (0, 0)),
                  pl.BlockSpec((E_PAD // 128, 128), lambda r: (0, 0)),
                  pl.BlockSpec((E_PAD // 128, 128), lambda r: (0, 0))],
        out_specs=[pl.BlockSpec((1, N_NODES, H), lambda r: (r, 0, 0)),
                   pl.BlockSpec((NC * E_PAD // 128, 128), lambda r: (0, 0))],
        out_shape=(jax.ShapeDtypeStruct((R, N_NODES, H), f32),
                   jax.ShapeDtypeStruct((NC * E_PAD // 128, 128), i32)),
    )(w_comp2, bases2, embed_table, src_p, et_p)
    xw = xw.reshape(NC * R * N_NODES, HC)
    flat2 = flat2.reshape(NC, NS, CHUNKS_PER_TILE, CHUNK)

    zacc = jnp.zeros((CHUNK, HC), f32)
    zdeg = jnp.zeros((ACC_ROWS,), f32)

    mesh = plsc.VectorSubcoreMesh(core_axis_name="c", subcore_axis_name="s")
    pacc, pdeg = pl.kernel(
        _sc_body,
        out_type=(jax.ShapeDtypeStruct((NC * ACC_ROWS, HC), f32),
                  jax.ShapeDtypeStruct((NC * NS, ACC_ROWS), f32)),
        mesh=mesh,
        compiler_params=pltpu.CompilerParams(use_tc_tiling_on_sc=False,
                                             needs_layout_passes=False),
        scratch_types=[
            pltpu.VMEM((CHUNKS_PER_TILE, CHUNK), i32),
            pltpu.VMEM((CHUNKS_PER_TILE, CHUNK), i32),
            pltpu.VMEM((CHUNK, HC), f32),
            pltpu.VMEM((CHUNK, HC), f32),
            pltpu.VMEM((CHUNK, HC), f32),
            pltpu.VMEM((CHUNK, HC), f32),
            pltpu.VMEM((ACC_ROWS,), f32),
            pltpu.VMEM_SHARED((ACC_ROWS, HC), f32),
            pltpu.SemaphoreType.DMA,
            pltpu.SemaphoreType.DMA,
            pltpu.SemaphoreType.DMA,
            pltpu.SemaphoreType.DMA,
            pltpu.SemaphoreType.DMA,
        ],
    )(xw, flat2, dst_p, zacc, zdeg)

    pacc = pacc.reshape(NC, ACC_ROWS, HC)

    out = pl.pallas_call(
        _norm_body,
        grid=(),
        in_specs=[pl.BlockSpec((NC, ACC_ROWS, HC), lambda: (0, 0, 0)),
                  pl.BlockSpec((NC * NS, ACC_ROWS), lambda: (0, 0))],
        out_specs=pl.BlockSpec((N_NODES, H), lambda: (0, 0)),
        out_shape=jax.ShapeDtypeStruct((N_NODES, H), f32),
    )(pacc, pdeg)
    return out

# --- scband reference (transcript-rebuilt; emitter-appended) ---
"""Pipeline reference for scband-end2-end-link-predictor-rgcn-35957466202764 (READ-ONLY COPY).

The authoritative reference and input builder live on the scoring server;
editing this copy changes nothing except your own understanding.
"""

import jax, jax.numpy as jnp
import numpy as np

N_NODES = 10000
N_EDGES = 320000
H_DIM = 128
OUT_DIM = 128
NUM_RELS = 8
NUM_BASES = 4


def setup_inputs(seed: int = 0) -> dict:
    key = jax.random.key(seed)
    k1, k2, k3, k4, k5, k6, k7 = jax.random.split(key, 7)
    edge_index = jax.random.randint(k1, (2, N_EDGES), 0, N_NODES, dtype=jnp.int64)
    edge_type = jax.random.randint(k2, (N_EDGES,), 0, NUM_RELS, dtype=jnp.int64)
    # learned params: node embedding table (MiniBatchRelGraphEmbed) + 2 basis-decomposed RGCN layers
    embed_table = jax.random.normal(k3, (N_NODES, H_DIM), dtype=jnp.float32) * 0.05
    bases1 = jax.random.normal(k4, (NUM_BASES, H_DIM, H_DIM), dtype=jnp.float32) * 0.05
    w_comp1 = jax.random.normal(k5, (NUM_RELS, NUM_BASES), dtype=jnp.float32) * 0.05
    bases2 = jax.random.normal(k6, (NUM_BASES, H_DIM, OUT_DIM), dtype=jnp.float32) * 0.05
    w_comp2 = jax.random.normal(k7, (NUM_RELS, NUM_BASES), dtype=jnp.float32) * 0.05
    return {"edge_index": edge_index, "edge_type": edge_type, "embed_table": embed_table,
            "bases1": bases1, "w_comp1": w_comp1, "bases2": bases2, "w_comp2": w_comp2}


def _rel_graph_conv(h, edge_src, edge_dst, edge_type, bases, w_comp, n_nodes, activation):
    # basis decomposition: W_r = sum_b w_comp[r, b] * bases[b]
    W = jnp.einsum('rb,bio->rio', w_comp, bases)           # [R, in, out]
    xw = jnp.einsum('nd,rdo->rno', h, W)                    # [R, N, out] transform-then-gather
    msgs = xw[edge_type, edge_src]                          # [E, out] gather (memory-bound)
    agg = jax.ops.segment_sum(msgs, edge_dst, num_segments=n_nodes)
    deg = jax.ops.segment_sum(jnp.ones_like(edge_dst, dtype=h.dtype), edge_dst, num_segments=n_nodes)
    out = agg / jnp.clip(deg, 1.0, None)[:, None]           # 'right' norm (mean over in-edges)
    if activation:
        out = jax.nn.relu(out)
    return out


def reference(edge_index, edge_type, embed_table, bases1, w_comp1, bases2, w_comp2):
    # embed_layer(g, full=True): full-graph node embeddings
    h_d = embed_table
    n = embed_table.shape[0]
    src = edge_index[0]
    dst = edge_index[1]
    # NOTE: original forward applies EACH layer to h_d (not chained): `for layer in self.layers: h = layer(g, h_d)`
    h = None
    for bases, w_comp, act in ((bases1, w_comp1, True), (bases2, w_comp2, False)):
        h = _rel_graph_conv(h_d, src, dst, edge_type, bases, w_comp, n, act)
    return h

if __name__ == "__main__":
    import jax
    _d = setup_inputs()
    print(jax.jit(kernel)(*tuple(_d.values())))

</pallas_src>

<mosaic_0001>
#map = affine_map<(d0, d1) -> (0, 0)>
#map1 = affine_map<(d0, d1) -> (0, 0, 0, 0)>
#map2 = affine_map<(d0, d1) -> (0, 0, 0)>
#map3 = affine_map<(d0, d1) -> (0)>
module attributes {stable_mosaic.version = 14 : i64} {
  func.func @_sc_body(%arg0: i32, %arg1: i32, %arg2: memref<160000x64xf32, #tpu.memory_space<hbm>>, %arg3: memref<2x16x157x128xi32, #tpu.memory_space<hbm>>, %arg4: memref<16x157x128xi32, #tpu.memory_space<hbm>>, %arg5: memref<128x64xf32, #tpu.memory_space<hbm>>, %arg6: memref<10240xf32, #tpu.memory_space<hbm>>, %arg7: memref<20480x64xf32, #tpu.memory_space<hbm>>, %arg8: memref<32x10240xf32, #tpu.memory_space<hbm>>, %arg9: memref<157x128xi32, #tpu.memory_space<vmem>>, %arg10: memref<157x128xi32, #tpu.memory_space<vmem>>, %arg11: memref<128x64xf32, #tpu.memory_space<vmem>>, %arg12: memref<128x64xf32, #tpu.memory_space<vmem>>, %arg13: memref<128x64xf32, #tpu.memory_space<vmem>>, %arg14: memref<128x64xf32, #tpu.memory_space<vmem>>, %arg15: memref<10240xf32, #tpu.memory_space<vmem>>, %arg16: memref<10240x64xf32, #tpu.memory_space<vmem_shared>>, %arg17: memref<!tpu.dma_semaphore, #tpu.memory_space<semaphore_mem>>, %arg18: memref<!tpu.dma_semaphore, #tpu.memory_space<semaphore_mem>>, %arg19: memref<!tpu.dma_semaphore, #tpu.memory_space<semaphore_mem>>, %arg20: memref<!tpu.dma_semaphore, #tpu.memory_space<semaphore_mem>>, %arg21: memref<!tpu.dma_semaphore, #tpu.memory_space<semaphore_mem>>) attributes {dimension_semantics = [#tpu.dimension_semantics<core_parallel>, #tpu.dimension_semantics<subcore_parallel>], iteration_bounds = array<i64: 2, 16>, scalar_prefetch = 0 : i64, scratch_operands = 13 : i64, tpu.core_type = #tpu.core_type<sc_vector_subcore>, window_params = [{transform_indices = #map}, {transform_indices = #map1}, {transform_indices = #map2}, {transform_indices = #map}, {transform_indices = #map3}, {transform_indices = #map}, {transform_indices = #map}]} {
    %mul3A = arith.constant 640 : i32
    %mul3A_0 = arith.muli %arg1, %mul3A : i32
    %broadcast_in_dim3A = arith.constant 1.000000e+00 : f32
    %broadcast_in_dim3A_1 = vector.broadcast %broadcast_in_dim3A : f32 to vector<16xf32>
    %dma_start3A = arith.constant 0 : i32
    %dma_start3A_2 = arith.constant 0 : i32
    %dma_start3A_3 = tpu.memref_slice %arg3[%arg0, %arg1, %dma_start3A, %dma_start3A_2] : memref<2x16x157x128xi32, #tpu.memory_space<hbm>> -> memref<1x1x157x128xi32, #tpu.memory_space<hbm>>
    %dma_start3A_4 = tpu.memref_squeeze %dma_start3A_3 : memref<1x1x157x128xi32, #tpu.memory_space<hbm>> -> memref<157x128xi32, #tpu.memory_space<hbm>>
    %dma_start3A_5 = arith.constant 0 : i32
    %dma_start3A_6 = arith.constant 0 : i32
    %dma_start3A_7 = tpu.memref_slice %arg3[%arg0, %arg1, %dma_start3A_5, %dma_start3A_6] : memref<2x16x157x128xi32, #tpu.memory_space<hbm>> -> memref<1x1x157x128xi32, #tpu.memory_space<hbm>>
    %dma_start3A_8 = tpu.memref_squeeze %dma_start3A_7 : memref<1x1x157x128xi32, #tpu.memory_space<hbm>> -> memref<157x128xi32, #tpu.memory_space<hbm>>
    tpu.enqueue_dma source(%dma_start3A_8 : memref<157x128xi32, #tpu.memory_space<hbm>>) target(%arg9 : memref<157x128xi32, #tpu.memory_space<vmem>>) target_semaphore(%arg17 : memref<!tpu.dma_semaphore, #tpu.memory_space<semaphore_mem>>)
    %dma_start3A_9 = arith.constant 0 : i32
    %dma_start3A_10 = arith.constant 0 : i32
    %dma_start3A_11 = tpu.memref_slice %arg4[%arg1, %dma_start3A_9, %dma_start3A_10] : memref<16x157x128xi32, #tpu.memory_space<hbm>> -> memref<1x157x128xi32, #tpu.memory_space<hbm>>
    %dma_start3A_12 = tpu.memref_squeeze %dma_start3A_11 : memref<1x157x128xi32, #tpu.memory_space<hbm>> -> memref<157x128xi32, #tpu.memory_space<hbm>>
    %dma_start3A_13 = arith.constant 0 : i32
    %dma_start3A_14 = arith.constant 0 : i32
    %dma_start3A_15 = tpu.memref_slice %arg4[%arg1, %dma_start3A_13, %dma_start3A_14] : memref<16x157x128xi32, #tpu.memory_space<hbm>> -> memref<1x157x128xi32, #tpu.memory_space<hbm>>
    %dma_start3A_16 = tpu.memref_squeeze %dma_start3A_15 : memref<1x157x128xi32, #tpu.memory_space<hbm>> -> memref<157x128xi32, #tpu.memory_space<hbm>>
    tpu.enqueue_dma source(%dma_start3A_16 : memref<157x128xi32, #tpu.memory_space<hbm>>) target(%arg10 : memref<157x128xi32, #tpu.memory_space<vmem>>) target_semaphore(%arg18 : memref<!tpu.dma_semaphore, #tpu.memory_space<semaphore_mem>>)
    "tpu.region"() ({
      %run_scoped3A = tpu.sem_alloc : memref<!tpu.dma_semaphore, #tpu.memory_space<semaphore_mem>>
      tpu.enqueue_dma source(%arg5 : memref<128x64xf32, #tpu.memory_space<hbm>>) target(%arg11 : memref<128x64xf32, #tpu.memory_space<vmem>>) target_semaphore(%run_scoped3A : memref<!tpu.dma_semaphore, #tpu.memory_space<semaphore_mem>>)
      tpu.wait_dma2 semaphore(%run_scoped3A : memref<!tpu.dma_semaphore, #tpu.memory_space<semaphore_mem>>) src(%arg5 : memref<128x64xf32, #tpu.memory_space<hbm>>) dst(%arg11 : memref<128x64xf32, #tpu.memory_space<vmem>>)
      tpu.yield
    }) : () -> ()
    "tpu.region"() ({
      %run_scoped3A = tpu.sem_alloc : memref<!tpu.dma_semaphore, #tpu.memory_space<semaphore_mem>>
      tpu.enqueue_dma source(%arg6 : memref<10240xf32, #tpu.memory_space<hbm>>) target(%arg15 : memref<10240xf32, #tpu.memory_space<vmem>>) target_semaphore(%run_scoped3A : memref<!tpu.dma_semaphore, #tpu.memory_space<semaphore_mem>>)
      tpu.wait_dma2 semaphore(%run_scoped3A : memref<!tpu.dma_semaphore, #tpu.memory_space<semaphore_mem>>) src(%arg6 : memref<10240xf32, #tpu.memory_space<hbm>>) dst(%arg15 : memref<10240xf32, #tpu.memory_space<vmem>>)
      tpu.yield
    }) : () -> ()
    %add3A = arith.constant 0 : i32
    %add3A_17 = arith.addi %mul3A_0, %add3A : i32
    "tpu.region"() ({
      %run_scoped3A = tpu.sem_alloc : memref<!tpu.dma_semaphore, #tpu.memory_space<semaphore_mem>>
      %dma_start3A_152 = arith.constant 0 : i32
      %dma_start3A_153 = tpu.memref_slice %arg16[%add3A_17, %dma_start3A_152] : memref<10240x64xf32, #tpu.memory_space<vmem_shared>> -> memref<128x64xf32, #tpu.memory_space<vmem_shared>>
      %dma_start3A_154 = arith.constant 0 : i32
      %dma_start3A_155 = tpu.memref_slice %arg16[%add3A_17, %dma_start3A_154] : memref<10240x64xf32, #tpu.memory_space<vmem_shared>> -> memref<128x64xf32, #tpu.memory_space<vmem_shared>>
      tpu.enqueue_dma source(%arg11 : memref<128x64xf32, #tpu.memory_space<vmem>>) target(%dma_start3A_155 : memref<128x64xf32, #tpu.memory_space<vmem_shared>>) target_semaphore(%run_scoped3A : memref<!tpu.dma_semaphore, #tpu.memory_space<semaphore_mem>>)
      %dma_wait3A_156 = arith.constant 0 : i32
      %dma_wait3A_157 = tpu.memref_slice %arg16[%add3A_17, %dma_wait3A_156] : memref<10240x64xf32, #tpu.memory_space<vmem_shared>> -> memref<128x64xf32, #tpu.memory_space<vmem_shared>>
      %dma_wait3A_158 = arith.constant 0 : i32
      %dma_wait3A_159 = tpu.memref_slice %arg16[%add3A_17, %dma_wait3A_158] : memref<10240x64xf32, #tpu.memory_space<vmem_shared>> -> memref<128x64xf32, #tpu.memory_space<vmem_shared>>
      tpu.wait_dma2 semaphore(%run_scoped3A : memref<!tpu.dma_semaphore, #tpu.memory_space<semaphore_mem>>) src(%arg11 : memref<128x64xf32, #tpu.memory_space<vmem>>) dst(%dma_wait3A_159 : memref<128x64xf32, #tpu.memory_space<vmem_shared>>)
      tpu.yield
    }) : () -> ()
    %add3A_18 = arith.constant 128 : i32
    %add3A_19 = arith.addi %mul3A_0, %add3A_18 : i32
    "tpu.region"() ({
      %run_scoped3A = tpu.sem_alloc : memref<!tpu.dma_semaphore, #tpu.memory_space<semaphore_mem>>
      %dma_start3A_152 = arith.constant 0 : i32
      %dma_start3A_153 = tpu.memref_slice %arg16[%add3A_19, %dma_start3A_152] : memref<10240x64xf32, #tpu.memory_space<vmem_shared>> -> memref<128x64xf32, #tpu.memory_space<vmem_shared>>
      %dma_start3A_154 = arith.constant 0 : i32
      %dma_start3A_155 = tpu.memref_slice %arg16[%add3A_19, %dma_start3A_154] : memref<10240x64xf32, #tpu.memory_space<vmem_shared>> -> memref<128x64xf32, #tpu.memory_space<vmem_shared>>
      tpu.enqueue_dma source(%arg11 : memref<128x64xf32, #tpu.memory_space<vmem>>) target(%dma_start3A_155 : memref<128x64xf32, #tpu.memory_space<vmem_shared>>) target_semaphore(%run_scoped3A : memref<!tpu.dma_semaphore, #tpu.memory_space<semaphore_mem>>)
      %dma_wait3A_156 = arith.constant 0 : i32
      %dma_wait3A_157 = tpu.memref_slice %arg16[%add3A_19, %dma_wait3A_156] : memref<10240x64xf32, #tpu.memory_space<vmem_shared>> -> memref<128x64xf32, #tpu.memory_space<vmem_shared>>
      %dma_wait3A_158 = arith.constant 0 : i32
      %dma_wait3A_159 = tpu.memref_slice %arg16[%add3A_19, %dma_wait3A_158] : memref<10240x64xf32, #tpu.memory_space<vmem_shared>> -> memref<128x64xf32, #tpu.memory_space<vmem_shared>>
      tpu.wait_dma2 semaphore(%run_scoped3A : memref<!tpu.dma_semaphore, #tpu.memory_space<semaphore_mem>>) src(%arg11 : memref<128x64xf32, #tpu.memory_space<vmem>>) dst(%dma_wait3A_159 : memref<128x64xf32, #tpu.memory_space<vmem_shared>>)
      tpu.yield
    }) : () -> ()
    %add3A_20 = arith.constant 256 : i32
    %add3A_21 = arith.addi %mul3A_0, %add3A_20 : i32
    "tpu.region"() ({
      %run_scoped3A = tpu.sem_alloc : memref<!tpu.dma_semaphore, #tpu.memory_space<semaphore_mem>>
      %dma_start3A_152 = arith.constant 0 : i32
      %dma_start3A_153 = tpu.memref_slice %arg16[%add3A_21, %dma_start3A_152] : memref<10240x64xf32, #tpu.memory_space<vmem_shared>> -> memref<128x64xf32, #tpu.memory_space<vmem_shared>>
      %dma_start3A_154 = arith.constant 0 : i32
      %dma_start3A_155 = tpu.memref_slice %arg16[%add3A_21, %dma_start3A_154] : memref<10240x64xf32, #tpu.memory_space<vmem_shared>> -> memref<128x64xf32, #tpu.memory_space<vmem_shared>>
      tpu.enqueue_dma source(%arg11 : memref<128x64xf32, #tpu.memory_space<vmem>>) target(%dma_start3A_155 : memref<128x64xf32, #tpu.memory_space<vmem_shared>>) target_semaphore(%run_scoped3A : memref<!tpu.dma_semaphore, #tpu.memory_space<semaphore_mem>>)
      %dma_wait3A_156 = arith.constant 0 : i32
      %dma_wait3A_157 = tpu.memref_slice %arg16[%add3A_21, %dma_wait3A_156] : memref<10240x64xf32, #tpu.memory_space<vmem_shared>> -> memref<128x64xf32, #tpu.memory_space<vmem_shared>>
      %dma_wait3A_158 = arith.constant 0 : i32
      %dma_wait3A_159 = tpu.memref_slice %arg16[%add3A_21, %dma_wait3A_158] : memref<10240x64xf32, #tpu.memory_space<vmem_shared>> -> memref<128x64xf32, #tpu.memory_space<vmem_shared>>
      tpu.wait_dma2 semaphore(%run_scoped3A : memref<!tpu.dma_semaphore, #tpu.memory_space<semaphore_mem>>) src(%arg11 : memref<128x64xf32, #tpu.memory_space<vmem>>) dst(%dma_wait3A_159 : memref<128x64xf32, #tpu.memory_space<vmem_shared>>)
      tpu.yield
    }) : () -> ()
    %add3A_22 = arith.constant 384 : i32
    %add3A_23 = arith.addi %mul3A_0, %add3A_22 : i32
    "tpu.region"() ({
      %run_scoped3A = tpu.sem_alloc : memref<!tpu.dma_semaphore, #tpu.memory_space<semaphore_mem>>
      %dma_start3A_152 = arith.constant 0 : i32
      %dma_start3A_153 = tpu.memref_slice %arg16[%add3A_23, %dma_start3A_152] : memref<10240x64xf32, #tpu.memory_space<vmem_shared>> -> memref<128x64xf32, #tpu.memory_space<vmem_shared>>
      %dma_start3A_154 = arith.constant 0 : i32
      %dma_start3A_155 = tpu.memref_slice %arg16[%add3A_23, %dma_start3A_154] : memref<10240x64xf32, #tpu.memory_space<vmem_shared>> -> memref<128x64xf32, #tpu.memory_space<vmem_shared>>
      tpu.enqueue_dma source(%arg11 : memref<128x64xf32, #tpu.memory_space<vmem>>) target(%dma_start3A_155 : memref<128x64xf32, #tpu.memory_space<vmem_shared>>) target_semaphore(%run_scoped3A : memref<!tpu.dma_semaphore, #tpu.memory_space<semaphore_mem>>)
      %dma_wait3A_156 = arith.constant 0 : i32
      %dma_wait3A_157 = tpu.memref_slice %arg16[%add3A_23, %dma_wait3A_156] : memref<10240x64xf32, #tpu.memory_space<vmem_shared>> -> memref<128x64xf32, #tpu.memory_space<vmem_shared>>
      %dma_wait3A_158 = arith.constant 0 : i32
      %dma_wait3A_159 = tpu.memref_slice %arg16[%add3A_23, %dma_wait3A_158] : memref<10240x64xf32, #tpu.memory_space<vmem_shared>> -> memref<128x64xf32, #tpu.memory_space<vmem_shared>>
      tpu.wait_dma2 semaphore(%run_scoped3A : memref<!tpu.dma_semaphore, #tpu.memory_space<semaphore_mem>>) src(%arg11 : memref<128x64xf32, #tpu.memory_space<vmem>>) dst(%dma_wait3A_159 : memref<128x64xf32, #tpu.memory_space<vmem_shared>>)
      tpu.yield
    }) : () -> ()
    %add3A_24 = arith.constant 512 : i32
    %add3A_25 = arith.addi %mul3A_0, %add3A_24 : i32
    "tpu.region"() ({
      %run_scoped3A = tpu.sem_alloc : memref<!tpu.dma_semaphore, #tpu.memory_space<semaphore_mem>>
      %dma_start3A_152 = arith.constant 0 : i32
      %dma_start3A_153 = tpu.memref_slice %arg16[%add3A_25, %dma_start3A_152] : memref<10240x64xf32, #tpu.memory_space<vmem_shared>> -> memref<128x64xf32, #tpu.memory_space<vmem_shared>>
      %dma_start3A_154 = arith.constant 0 : i32
      %dma_start3A_155 = tpu.memref_slice %arg16[%add3A_25, %dma_start3A_154] : memref<10240x64xf32, #tpu.memory_space<vmem_shared>> -> memref<128x64xf32, #tpu.memory_space<vmem_shared>>
      tpu.enqueue_dma source(%arg11 : memref<128x64xf32, #tpu.memory_space<vmem>>) target(%dma_start3A_155 : memref<128x64xf32, #tpu.memory_space<vmem_shared>>) target_semaphore(%run_scoped3A : memref<!tpu.dma_semaphore, #tpu.memory_space<semaphore_mem>>)
      %dma_wait3A_156 = arith.constant 0 : i32
      %dma_wait3A_157 = tpu.memref_slice %arg16[%add3A_25, %dma_wait3A_156] : memref<10240x64xf32, #tpu.memory_space<vmem_shared>> -> memref<128x64xf32, #tpu.memory_space<vmem_shared>>
      %dma_wait3A_158 = arith.constant 0 : i32
      %dma_wait3A_159 = tpu.memref_slice %arg16[%add3A_25, %dma_wait3A_158] : memref<10240x64xf32, #tpu.memory_space<vmem_shared>> -> memref<128x64xf32, #tpu.memory_space<vmem_shared>>
      tpu.wait_dma2 semaphore(%run_scoped3A : memref<!tpu.dma_semaphore, #tpu.memory_space<semaphore_mem>>) src(%arg11 : memref<128x64xf32, #tpu.memory_space<vmem>>) dst(%dma_wait3A_159 : memref<128x64xf32, #tpu.memory_space<vmem_shared>>)
      tpu.yield
    }) : () -> ()
    %dma_wait3A = arith.constant 0 : i32
    %dma_wait3A_26 = arith.constant 0 : i32
    %dma_wait3A_27 = tpu.memref_slice %arg3[%arg0, %arg1, %dma_wait3A, %dma_wait3A_26] : memref<2x16x157x128xi32, #tpu.memory_space<hbm>> -> memref<1x1x157x128xi32, #tpu.memory_space<hbm>>
    %dma_wait3A_28 = tpu.memref_squeeze %dma_wait3A_27 : memref<1x1x157x128xi32, #tpu.memory_space<hbm>> -> memref<157x128xi32, #tpu.memory_space<hbm>>
    %dma_wait3A_29 = arith.constant 0 : i32
    %dma_wait3A_30 = arith.constant 0 : i32
    %dma_wait3A_31 = tpu.memref_slice %arg3[%arg0, %arg1, %dma_wait3A_29, %dma_wait3A_30] : memref<2x16x157x128xi32, #tpu.memory_space<hbm>> -> memref<1x1x157x128xi32, #tpu.memory_space<hbm>>
    %dma_wait3A_32 = tpu.memref_squeeze %dma_wait3A_31 : memref<1x1x157x128xi32, #tpu.memory_space<hbm>> -> memref<157x128xi32, #tpu.memory_space<hbm>>
    tpu.wait_dma2 semaphore(%arg17 : memref<!tpu.dma_semaphore, #tpu.memory_space<semaphore_mem>>) src(%dma_wait3A_32 : memref<157x128xi32, #tpu.memory_space<hbm>>) dst(%arg9 : memref<157x128xi32, #tpu.memory_space<vmem>>)
    %dma_wait3A_33 = arith.constant 0 : i32
    %dma_wait3A_34 = arith.constant 0 : i32
    %dma_wait3A_35 = tpu.memref_slice %arg4[%arg1, %dma_wait3A_33, %dma_wait3A_34] : memref<16x157x128xi32, #tpu.memory_space<hbm>> -> memref<1x157x128xi32, #tpu.memory_space<hbm>>
    %dma_wait3A_36 = tpu.memref_squeeze %dma_wait3A_35 : memref<1x157x128xi32, #tpu.memory_space<hbm>> -> memref<157x128xi32, #tpu.memory_space<hbm>>
    %dma_wait3A_37 = arith.constant 0 : i32
    %dma_wait3A_38 = arith.constant 0 : i32
    %dma_wait3A_39 = tpu.memref_slice %arg4[%arg1, %dma_wait3A_37, %dma_wait3A_38] : memref<16x157x128xi32, #tpu.memory_space<hbm>> -> memref<1x157x128xi32, #tpu.memory_space<hbm>>
    %dma_wait3A_40 = tpu.memref_squeeze %dma_wait3A_39 : memref<1x157x128xi32, #tpu.memory_space<hbm>> -> memref<157x128xi32, #tpu.memory_space<hbm>>
    tpu.wait_dma2 semaphore(%arg18 : memref<!tpu.dma_semaphore, #tpu.memory_space<semaphore_mem>>) src(%dma_wait3A_40 : memref<157x128xi32, #tpu.memory_space<hbm>>) dst(%arg10 : memref<157x128xi32, #tpu.memory_space<vmem>>)
    %barrier3A = arith.constant 0 : index
    tpu.barrier barrier_id(%barrier3A)
    %dma_start3A_41 = arith.constant 0 : i32
    %dma_start3A_42 = arith.constant 0 : i32
    %dma_start3A_43 = tpu.memref_slice %arg9[%dma_start3A_41, %dma_start3A_42] : memref<157x128xi32, #tpu.memory_space<vmem>> -> memref<1x128xi32, #tpu.memory_space<vmem>>
    %dma_start3A_44 = tpu.memref_squeeze %dma_start3A_43 : memref<1x128xi32, #tpu.memory_space<vmem>> -> memref<128xi32, #tpu.memory_space<vmem>>
    %dma_start3A_45 = arith.constant 0 : i32
    %dma_start3A_46 = arith.constant 0 : i32
    %dma_start3A_47 = tpu.memref_slice %arg2[%dma_start3A_45, %dma_start3A_46] : memref<160000x64xf32, #tpu.memory_space<hbm>> -> memref<160000x64xf32, #tpu.memory_space<hbm>>
    tpu.enqueue_indirect_dma source(%dma_start3A_47 : memref<160000x64xf32, #tpu.memory_space<hbm>>) target(%arg11 : memref<128x64xf32, #tpu.memory_space<vmem>>) offsets(%dma_start3A_44 : memref<128xi32, #tpu.memory_space<vmem>>) semaphore(%arg17 : memref<!tpu.dma_semaphore, #tpu.memory_space<semaphore_mem>>)
    %dma_start3A_48 = arith.constant 1 : i32
    %dma_start3A_49 = arith.constant 0 : i32
    %dma_start3A_50 = tpu.memref_slice %arg9[%dma_start3A_48, %dma_start3A_49] : memref<157x128xi32, #tpu.memory_space<vmem>> -> memref<1x128xi32, #tpu.memory_space<vmem>>
    %dma_start3A_51 = tpu.memref_squeeze %dma_start3A_50 : memref<1x128xi32, #tpu.memory_space<vmem>> -> memref<128xi32, #tpu.memory_space<vmem>>
    %dma_start3A_52 = arith.constant 0 : i32
    %dma_start3A_53 = arith.constant 0 : i32
    %dma_start3A_54 = tpu.memref_slice %arg2[%dma_start3A_52, %dma_start3A_53] : memref<160000x64xf32, #tpu.memory_space<hbm>> -> memref<160000x64xf32, #tpu.memory_space<hbm>>
    tpu.enqueue_indirect_dma source(%dma_start3A_54 : memref<160000x64xf32, #tpu.memory_space<hbm>>) target(%arg12 : memref<128x64xf32, #tpu.memory_space<vmem>>) offsets(%dma_start3A_51 : memref<128xi32, #tpu.memory_space<vmem>>) semaphore(%arg18 : memref<!tpu.dma_semaphore, #tpu.memory_space<semaphore_mem>>)
    %dma_start3A_55 = arith.constant 2 : i32
    %dma_start3A_56 = arith.constant 0 : i32
    %dma_start3A_57 = tpu.memref_slice %arg9[%dma_start3A_55, %dma_start3A_56] : memref<157x128xi32, #tpu.memory_space<vmem>> -> memref<1x128xi32, #tpu.memory_space<vmem>>
    %dma_start3A_58 = tpu.memref_squeeze %dma_start3A_57 : memref<1x128xi32, #tpu.memory_space<vmem>> -> memref<128xi32, #tpu.memory_space<vmem>>
    %dma_start3A_59 = arith.constant 0 : i32
    %dma_start3A_60 = arith.constant 0 : i32
    %dma_start3A_61 = tpu.memref_slice %arg2[%dma_start3A_59, %dma_start3A_60] : memref<160000x64xf32, #tpu.memory_space<hbm>> -> memref<160000x64xf32, #tpu.memory_space<hbm>>
    tpu.enqueue_indirect_dma source(%dma_start3A_61 : memref<160000x64xf32, #tpu.memory_space<hbm>>) target(%arg13 : memref<128x64xf32, #tpu.memory_space<vmem>>) offsets(%dma_start3A_58 : memref<128xi32, #tpu.memory_space<vmem>>) semaphore(%arg19 : memref<!tpu.dma_semaphore, #tpu.memory_space<semaphore_mem>>)
    %dma_start3A_62 = arith.constant 3 : i32
    %dma_start3A_63 = arith.constant 0 : i32
    %dma_start3A_64 = tpu.memref_slice %arg9[%dma_start3A_62, %dma_start3A_63] : memref<157x128xi32, #tpu.memory_space<vmem>> -> memref<1x128xi32, #tpu.memory_space<vmem>>
    %dma_start3A_65 = tpu.memref_squeeze %dma_start3A_64 : memref<1x128xi32, #tpu.memory_space<vmem>> -> memref<128xi32, #tpu.memory_space<vmem>>
    %dma_start3A_66 = arith.constant 0 : i32
    %dma_start3A_67 = arith.constant 0 : i32
    %dma_start3A_68 = tpu.memref_slice %arg2[%dma_start3A_66, %dma_start3A_67] : memref<160000x64xf32, #tpu.memory_space<hbm>> -> memref<160000x64xf32, #tpu.memory_space<hbm>>
    tpu.enqueue_indirect_dma source(%dma_start3A_68 : memref<160000x64xf32, #tpu.memory_space<hbm>>) target(%arg14 : memref<128x64xf32, #tpu.memory_space<vmem>>) offsets(%dma_start3A_65 : memref<128xi32, #tpu.memory_space<vmem>>) semaphore(%arg20 : memref<!tpu.dma_semaphore, #tpu.memory_space<semaphore_mem>>)
    %scan3A = arith.constant 0 : i32
    %scan3A_69 = arith.constant 40 : i32
    %scan3A_70 = arith.addi %scan3A, %scan3A_69 : i32
    %scan3A_71 = arith.constant 1 : i32
    scf.for %scan3A_152 = %scan3A to %scan3A_70 step %scan3A_71  : i32 {
      %mul3A_153 = arith.constant 4 : i32
      %mul3A_154 = arith.muli %scan3A_152, %mul3A_153 : i32
      %add3A_155 = arith.constant 0 : i32
      %add3A_156 = arith.addi %add3A_155, %mul3A_154 : i32
      %add3A_157 = arith.constant 0 : i32
      %add3A_158 = arith.addi %add3A_156, %add3A_157 : i32
      %dma_wait3A_159 = arith.constant 0 : i32
      %dma_wait3A_160 = tpu.memref_slice %arg9[%add3A_158, %dma_wait3A_159] : memref<157x128xi32, #tpu.memory_space<vmem>> -> memref<1x128xi32, #tpu.memory_space<vmem>>
      %dma_wait3A_161 = tpu.memref_squeeze %dma_wait3A_160 : memref<1x128xi32, #tpu.memory_space<vmem>> -> memref<128xi32, #tpu.memory_space<vmem>>
      %dma_wait3A_162 = arith.constant 0 : i32
      %dma_wait3A_163 = arith.constant 0 : i32
      %dma_wait3A_164 = tpu.memref_slice %arg2[%dma_wait3A_162, %dma_wait3A_163] : memref<160000x64xf32, #tpu.memory_space<hbm>> -> memref<160000x64xf32, #tpu.memory_space<hbm>>
      tpu.wait_indirect_dma semaphore(%arg17 : memref<!tpu.dma_semaphore, #tpu.memory_space<semaphore_mem>>) src(%dma_wait3A_164 : memref<160000x64xf32, #tpu.memory_space<hbm>>) dst(%arg11 : memref<128x64xf32, #tpu.memory_space<vmem>>)
      %dma_start3A_165 = arith.constant 0 : i32
      %dma_start3A_166 = tpu.memref_slice %arg10[%add3A_158, %dma_start3A_165] : memref<157x128xi32, #tpu.memory_space<vmem>> -> memref<1x128xi32, #tpu.memory_space<vmem>>
      %dma_start3A_167 = tpu.memref_squeeze %dma_start3A_166 : memref<1x128xi32, #tpu.memory_space<vmem>> -> memref<128xi32, #tpu.memory_space<vmem>>
      %dma_start3A_168 = arith.constant 0 : i32
      %dma_start3A_169 = arith.constant 0 : i32
      %dma_start3A_170 = tpu.memref_slice %arg16[%dma_start3A_168, %dma_start3A_169] : memref<10240x64xf32, #tpu.memory_space<vmem_shared>> -> memref<10240x64xf32, #tpu.memory_space<vmem_shared>>
      tpu.enqueue_indirect_dma source(%arg11 : memref<128x64xf32, #tpu.memory_space<vmem>>) target(%dma_start3A_170 : memref<10240x64xf32, #tpu.memory_space<vmem_shared>>) offsets(%dma_start3A_167 : memref<128xi32, #tpu.memory_space<vmem>>) semaphore(%arg21 : memref<!tpu.dma_semaphore, #tpu.memory_space<semaphore_mem>>) {add = true}
      %eq3A = arith.constant 0 : i32
      %eq3A_171 = arith.cmpi eq, %arg0, %eq3A : i32
      %convert_element_type3A = arith.extui %eq3A_171 : i1 to i32
      %cond3A = arith.constant 0 : i32
      %cond3A_172 = arith.cmpi ne, %convert_element_type3A, %cond3A : i32
      scf.if %cond3A_172 {
        %get3A = arith.index_cast %add3A_158 : i32 to index
        %get3A_206 = arith.constant 0 : index
        %get3A_207 = tpu.vector_load %arg10[%get3A, %get3A_206] {strides = array<i32>} : memref<157x128xi32, #tpu.memory_space<vmem>>, vector<16xi32>,
        tpu.vector_store_idx %arg15[%get3A_207], %broadcast_in_dim3A_1 {add = true} : memref<10240xf32, #tpu.memory_space<vmem>>[vector<16xi32>], vector<16xf32>,
        %get3A_208 = arith.index_cast %add3A_158 : i32 to index
        %get3A_209 = arith.constant 16 : index
        %get3A_210 = tpu.vector_load %arg10[%get3A_208, %get3A_209] {strides = array<i32>} : memref<157x128xi32, #tpu.memory_space<vmem>>, vector<16xi32>,
        tpu.vector_store_idx %arg15[%get3A_210], %broadcast_in_dim3A_1 {add = true} : memref<10240xf32, #tpu.memory_space<vmem>>[vector<16xi32>], vector<16xf32>,
        %get3A_211 = arith.index_cast %add3A_158 : i32 to index
        %get3A_212 = arith.constant 32 : index
        %get3A_213 = tpu.vector_load %arg10[%get3A_211, %get3A_212] {strides = array<i32>} : memref<157x128xi32, #tpu.memory_space<vmem>>, vector<16xi32>,
        tpu.vector_store_idx %arg15[%get3A_213], %broadcast_in_dim3A_1 {add = true} : memref<10240xf32, #tpu.memory_space<vmem>>[vector<16xi32>], vector<16xf32>,
        %get3A_214 = arith.index_cast %add3A_158 : i32 to index
        %get3A_215 = arith.constant 48 : index
        %get3A_216 = tpu.vector_load %arg10[%get3A_214, %get3A_215] {strides = array<i32>} : memref<157x128xi32, #tpu.memory_space<vmem>>, vector<16xi32>,
        tpu.vector_store_idx %arg15[%get3A_216], %broadcast_in_dim3A_1 {add = true} : memref<10240xf32, #tpu.memory_space<vmem>>[vector<16xi32>], vector<16xf32>,
        %get3A_217 = arith.index_cast %add3A_158 : i32 to index
        %get3A_218 = arith.constant 64 : index
        %get3A_219 = tpu.vector_load %arg10[%get3A_217, %get3A_218] {strides = array<i32>} : memref<157x128xi32, #tpu.memory_space<vmem>>, vector<16xi32>,
        tpu.vector_store_idx %arg15[%get3A_219], %broadcast_in_dim3A_1 {add = true} : memref<10240xf32, #tpu.memory_space<vmem>>[vector<16xi32>], vector<16xf32>,
        %get3A_220 = arith.index_cast %add3A_158 : i32 to index
        %get3A_221 = arith.constant 80 : index
        %get3A_222 = tpu.vector_load %arg10[%get3A_220, %get3A_221] {strides = array<i32>} : memref<157x128xi32, #tpu.memory_space<vmem>>, vector<16xi32>,
        tpu.vector_store_idx %arg15[%get3A_222], %broadcast_in_dim3A_1 {add = true} : memref<10240xf32, #tpu.memory_space<vmem>>[vector<16xi32>], vector<16xf32>,
        %get3A_223 = arith.index_cast %add3A_158 : i32 to index
        %get3A_224 = arith.constant 96 : index
        %get3A_225 = tpu.vector_load %arg10[%get3A_223, %get3A_224] {strides = array<i32>} : memref<157x128xi32, #tpu.memory_space<vmem>>, vector<16xi32>,
        tpu.vector_store_idx %arg15[%get3A_225], %broadcast_in_dim3A_1 {add = true} : memref<10240xf32, #tpu.memory_space<vmem>>[vector<16xi32>], vector<16xf32>,
        %get3A_226 = arith.index_cast %add3A_158 : i32 to index
        %get3A_227 = arith.constant 112 : index
        %get3A_228 = tpu.vector_load %arg10[%get3A_226, %get3A_227] {strides = array<i32>} : memref<157x128xi32, #tpu.memory_space<vmem>>, vector<16xi32>,
        tpu.vector_store_idx %arg15[%get3A_228], %broadcast_in_dim3A_1 {add = true} : memref<10240xf32, #tpu.memory_space<vmem>>[vector<16xi32>], vector<16xf32>,
      } else {
      }
      %dma_wait3A_173 = arith.constant 0 : i32
      %dma_wait3A_174 = tpu.memref_slice %arg10[%add3A_158, %dma_wait3A_173] : memref<157x128xi32, #tpu.memory_space<vmem>> -> memref<1x128xi32, #tpu.memory_space<vmem>>
      %dma_wait3A_175 = tpu.memref_squeeze %dma_wait3A_174 : memref<1x128xi32, #tpu.memory_space<vmem>> -> memref<128xi32, #tpu.memory_space<vmem>>
      %dma_wait3A_176 = arith.constant 0 : i32
      %dma_wait3A_177 = arith.constant 0 : i32
      %dma_wait3A_178 = tpu.memref_slice %arg16[%dma_wait3A_176, %dma_wait3A_177] : memref<10240x64xf32, #tpu.memory_space<vmem_shared>> -> memref<10240x64xf32, #tpu.memory_space<vmem_shared>>
      tpu.wait_indirect_dma semaphore(%arg21 : memref<!tpu.dma_semaphore, #tpu.memory_space<semaphore_mem>>) src(%arg11 : memref<128x64xf32, #tpu.memory_space<vmem>>) dst(%dma_wait3A_178 : memref<10240x64xf32, #tpu.memory_space<vmem_shared>>)
      %add3A_179 = arith.constant 4 : i32
      %add3A_180 = arith.addi %add3A_158, %add3A_179 : i32
      %lt3A = arith.constant 157 : i32
      %lt3A_181 = arith.cmpi slt, %add3A_180, %lt3A : i32
      %convert_element_type3A_182 = arith.extui %lt3A_181 : i1 to i32
      %cond3A_183 = arith.constant 0 : i32
      %cond3A_184 = arith.cmpi ne, %convert_element_type3A_182, %cond3A_183 : i32
      scf.if %cond3A_184 {
        %add3A_206 = arith.constant 4 : i32
        %add3A_207 = arith.addi %add3A_158, %add3A_206 : i32
        %dma_start3A_208 = arith.constant 0 : i32
        %dma_start3A_209 = tpu.memref_slice %arg9[%add3A_207, %dma_start3A_208] : memref<157x128xi32, #tpu.memory_space<vmem>> -> memref<1x128xi32, #tpu.memory_space<vmem>>
        %dma_start3A_210 = tpu.memref_squeeze %dma_start3A_209 : memref<1x128xi32, #tpu.memory_space<vmem>> -> memref<128xi32, #tpu.memory_space<vmem>>
        %dma_start3A_211 = arith.constant 0 : i32
        %dma_start3A_212 = arith.constant 0 : i32
        %dma_start3A_213 = tpu.memref_slice %arg2[%dma_start3A_211, %dma_start3A_212] : memref<160000x64xf32, #tpu.memory_space<hbm>> -> memref<160000x64xf32, #tpu.memory_space<hbm>>
        tpu.enqueue_indirect_dma source(%dma_start3A_213 : memref<160000x64xf32, #tpu.memory_space<hbm>>) target(%arg11 : memref<128x64xf32, #tpu.memory_space<vmem>>) offsets(%dma_start3A_210 : memref<128xi32, #tpu.memory_space<vmem>>) semaphore(%arg17 : memref<!tpu.dma_semaphore, #tpu.memory_space<semaphore_mem>>)
      } else {
      }
      %add3A_185 = arith.constant 1 : i32
      %add3A_186 = arith.addi %add3A_156, %add3A_185 : i32
      %lt3A_187 = arith.constant 157 : i32
      %lt3A_188 = arith.cmpi slt, %add3A_186, %lt3A_187 : i32
      %convert_element_type3A_189 = arith.extui %lt3A_188 : i1 to i32
      %cond3A_190 = arith.constant 0 : i32
      %cond3A_191 = arith.cmpi ne, %convert_element_type3A_189, %cond3A_190 : i32
      scf.if %cond3A_191 {
        %add3A_206 = arith.constant 1 : i32
        %add3A_207 = arith.addi %add3A_156, %add3A_206 : i32
        %dma_wait3A_208 = arith.constant 0 : i32
        %dma_wait3A_209 = tpu.memref_slice %arg9[%add3A_207, %dma_wait3A_208] : memref<157x128xi32, #tpu.memory_space<vmem>> -> memref<1x128xi32, #tpu.memory_space<vmem>>
        %dma_wait3A_210 = tpu.memref_squeeze %dma_wait3A_209 : memref<1x128xi32, #tpu.memory_space<vmem>> -> memref<128xi32, #tpu.memory_space<vmem>>
        %dma_wait3A_211 = arith.constant 0 : i32
        %dma_wait3A_212 = arith.constant 0 : i32
        %dma_wait3A_213 = tpu.memref_slice %arg2[%dma_wait3A_211, %dma_wait3A_212] : memref<160000x64xf32, #tpu.memory_space<hbm>> -> memref<160000x64xf32, #tpu.memory_space<hbm>>
        tpu.wait_indirect_dma semaphore(%arg18 : memref<!tpu.dma_semaphore, #tpu.memory_space<semaphore_mem>>) src(%dma_wait3A_213 : memref<160000x64xf32, #tpu.memory_space<hbm>>) dst(%arg12 : memref<128x64xf32, #tpu.memory_space<vmem>>)
        %dma_start3A_214 = arith.constant 0 : i32
        %dma_start3A_215 = tpu.memref_slice %arg10[%add3A_207, %dma_start3A_214] : memref<157x128xi32, #tpu.memory_space<vmem>> -> memref<1x128xi32, #tpu.memory_space<vmem>>
        %dma_start3A_216 = tpu.memref_squeeze %dma_start3A_215 : memref<1x128xi32, #tpu.memory_space<vmem>> -> memref<128xi32, #tpu.memory_space<vmem>>
        %dma_start3A_217 = arith.constant 0 : i32
        %dma_start3A_218 = arith.constant 0 : i32
        %dma_start3A_219 = tpu.memref_slice %arg16[%dma_start3A_217, %dma_start3A_218] : memref<10240x64xf32, #tpu.memory_space<vmem_shared>> -> memref<10240x64xf32, #tpu.memory_space<vmem_shared>>
        tpu.enqueue_indirect_dma source(%arg12 : memref<128x64xf32, #tpu.memory_space<vmem>>) target(%dma_start3A_219 : memref<10240x64xf32, #tpu.memory_space<vmem_shared>>) offsets(%dma_start3A_216 : memref<128xi32, #tpu.memory_space<vmem>>) semaphore(%arg21 : memref<!tpu.dma_semaphore, #tpu.memory_space<semaphore_mem>>) {add = true}
        %eq3A_220 = arith.constant 1 : i32
        %eq3A_221 = arith.cmpi eq, %arg0, %eq3A_220 : i32
        %convert_element_type3A_222 = arith.extui %eq3A_221 : i1 to i32
        %cond3A_223 = arith.constant 0 : i32
        %cond3A_224 = arith.cmpi ne, %convert_element_type3A_222, %cond3A_223 : i32
        scf.if %cond3A_224 {
          %get3A = arith.index_cast %add3A_207 : i32 to index
          %get3A_238 = arith.constant 0 : index
          %get3A_239 = tpu.vector_load %arg10[%get3A, %get3A_238] {strides = array<i32>} : memref<157x128xi32, #tpu.memory_space<vmem>>, vector<16xi32>,
          tpu.vector_store_idx %arg15[%get3A_239], %broadcast_in_dim3A_1 {add = true} : memref<10240xf32, #tpu.memory_space<vmem>>[vector<16xi32>], vector<16xf32>,
          %get3A_240 = arith.index_cast %add3A_207 : i32 to index
          %get3A_241 = arith.constant 16 : index
          %get3A_242 = tpu.vector_load %arg10[%get3A_240, %get3A_241] {strides = array<i32>} : memref<157x128xi32, #tpu.memory_space<vmem>>, vector<16xi32>,
          tpu.vector_store_idx %arg15[%get3A_242], %broadcast_in_dim3A_1 {add = true} : memref<10240xf32, #tpu.memory_space<vmem>>[vector<16xi32>], vector<16xf32>,
          %get3A_243 = arith.index_cast %add3A_207 : i32 to index
          %get3A_244 = arith.constant 32 : index
          %get3A_245 = tpu.vector_load %arg10[%get3A_243, %get3A_244] {strides = array<i32>} : memref<157x128xi32, #tpu.memory_space<vmem>>, vector<16xi32>,
          tpu.vector_store_idx %arg15[%get3A_245], %broadcast_in_dim3A_1 {add = true} : memref<10240xf32, #tpu.memory_space<vmem>>[vector<16xi32>], vector<16xf32>,
          %get3A_246 = arith.index_cast %add3A_207 : i32 to index
          %get3A_247 = arith.constant 48 : index
          %get3A_248 = tpu.vector_load %arg10[%get3A_246, %get3A_247] {strides = array<i32>} : memref<157x128xi32, #tpu.memory_space<vmem>>, vector<16xi32>,
          tpu.vector_store_idx %arg15[%get3A_248], %broadcast_in_dim3A_1 {add = true} : memref<10240xf32, #tpu.memory_space<vmem>>[vector<16xi32>], vector<16xf32>,
          %get3A_249 = arith.index_cast %add3A_207 : i32 to index
          %get3A_250 = arith.constant 64 : index
          %get3A_251 = tpu.vector_load %arg10[%get3A_249, %get3A_250] {strides = array<i32>} : memref<157x128xi32, #tpu.memory_space<vmem>>, vector<16xi32>,
          tpu.vector_store_idx %arg15[%get3A_251], %broadcast_in_dim3A_1 {add = true} : memref<10240xf32, #tpu.memory_space<vmem>>[vector<16xi32>], vector<16xf32>,
          %get3A_252 = arith.index_cast %add3A_207 : i32 to index
          %get3A_253 = arith.constant 80 : index
          %get3A_254 = tpu.vector_load %arg10[%get3A_252, %get3A_253] {strides = array<i32>} : memref<157x128xi32, #tpu.memory_space<vmem>>, vector<16xi32>,
          tpu.vector_store_idx %arg15[%get3A_254], %broadcast_in_dim3A_1 {add = true} : memref<10240xf32, #tpu.memory_space<vmem>>[vector<16xi32>], vector<16xf32>,
          %get3A_255 = arith.index_cast %add3A_207 : i32 to index
          %get3A_256 = arith.constant 96 : index
          %get3A_257 = tpu.vector_load %arg10[%get3A_255, %get3A_256] {strides = array<i32>} : memref<157x128xi32, #tpu.memory_space<vmem>>, vector<16xi32>,
          tpu.vector_store_idx %arg15[%get3A_257], %broadcast_in_dim3A_1 {add = true} : memref<10240xf32, #tpu.memory_space<vmem>>[vector<16xi32>], vector<16xf32>,
          %get3A_258 = arith.index_cast %add3A_207 : i32 to index
          %get3A_259 = arith.constant 112 : index
          %get3A_260 = tpu.vector_load %arg10[%get3A_258, %get3A_259] {strides = array<i32>} : memref<157x128xi32, #tpu.memory_space<vmem>>, vector<16xi32>,
          tpu.vector_store_idx %arg15[%get3A_260], %broadcast_in_dim3A_1 {add = true} : memref<10240xf32, #tpu.memory_space<vmem>>[vector<16xi32>], vector<16xf32>,
        } else {
        }
        %dma_wait3A_225 = arith.constant 0 : i32
        %dma_wait3A_226 = tpu.memref_slice %arg10[%add3A_207, %dma_wait3A_225] : memref<157x128xi32, #tpu.memory_space<vmem>> -> memref<1x128xi32, #tpu.memory_space<vmem>>
        %dma_wait3A_227 = tpu.memref_squeeze %dma_wait3A_226 : memref<1x128xi32, #tpu.memory_space<vmem>> -> memref<128xi32, #tpu.memory_space<vmem>>
        %dma_wait3A_228 = arith.constant 0 : i32
        %dma_wait3A_229 = arith.constant 0 : i32
        %dma_wait3A_230 = tpu.memref_slice %arg16[%dma_wait3A_228, %dma_wait3A_229] : memref<10240x64xf32, #tpu.memory_space<vmem_shared>> -> memref<10240x64xf32, #tpu.memory_space<vmem_shared>>
        tpu.wait_indirect_dma semaphore(%arg21 : memref<!tpu.dma_semaphore, #tpu.memory_space<semaphore_mem>>) src(%arg12 : memref<128x64xf32, #tpu.memory_space<vmem>>) dst(%dma_wait3A_230 : memref<10240x64xf32, #tpu.memory_space<vmem_shared>>)
        %add3A_231 = arith.constant 4 : i32
        %add3A_232 = arith.addi %add3A_207, %add3A_231 : i32
        %lt3A_233 = arith.constant 157 : i32
        %lt3A_234 = arith.cmpi slt, %add3A_232, %lt3A_233 : i32
        %convert_element_type3A_235 = arith.extui %lt3A_234 : i1 to i32
        %cond3A_236 = arith.constant 0 : i32
        %cond3A_237 = arith.cmpi ne, %convert_element_type3A_235, %cond3A_236 : i32
        scf.if %cond3A_237 {
          %add3A_238 = arith.constant 4 : i32
          %add3A_239 = arith.addi %add3A_207, %add3A_238 : i32
          %dma_start3A_240 = arith.constant 0 : i32
          %dma_start3A_241 = tpu.memref_slice %arg9[%add3A_239, %dma_start3A_240] : memref<157x128xi32, #tpu.memory_space<vmem>> -> memref<1x128xi32, #tpu.memory_space<vmem>>
          %dma_start3A_242 = tpu.memref_squeeze %dma_start3A_241 : memref<1x128xi32, #tpu.memory_space<vmem>> -> memref<128xi32, #tpu.memory_space<vmem>>
          %dma_start3A_243 = arith.constant 0 : i32
          %dma_start3A_244 = arith.constant 0 : i32
          %dma_start3A_245 = tpu.memref_slice %arg2[%dma_start3A_243, %dma_start3A_244] : memref<160000x64xf32, #tpu.memory_space<hbm>> -> memref<160000x64xf32, #tpu.memory_space<hbm>>
          tpu.enqueue_indirect_dma source(%dma_start3A_245 : memref<160000x64xf32, #tpu.memory_space<hbm>>) target(%arg12 : memref<128x64xf32, #tpu.memory_space<vmem>>) offsets(%dma_start3A_242 : memref<128xi32, #tpu.memory_space<vmem>>) semaphore(%arg18 : memref<!tpu.dma_semaphore, #tpu.memory_space<semaphore_mem>>)
        } else {
        }
      } else {
      }
      %add3A_192 = arith.constant 2 : i32
      %add3A_193 = arith.addi %add3A_156, %add3A_192 : i32
      %lt3A_194 = arith.constant 157 : i32
      %lt3A_195 = arith.cmpi slt, %add3A_193, %lt3A_194 : i32
      %convert_element_type3A_196 = arith.extui %lt3A_195 : i1 to i32
      %cond3A_197 = arith.constant 0 : i32
      %cond3A_198 = arith.cmpi ne, %convert_element_type3A_196, %cond3A_197 : i32
      scf.if %cond3A_198 {
        %add3A_206 = arith.constant 2 : i32
        %add3A_207 = arith.addi %add3A_156, %add3A_206 : i32
        %dma_wait3A_208 = arith.constant 0 : i32
        %dma_wait3A_209 = tpu.memref_slice %arg9[%add3A_207, %dma_wait3A_208] : memref<157x128xi32, #tpu.memory_space<vmem>> -> memref<1x128xi32, #tpu.memory_space<vmem>>
        %dma_wait3A_210 = tpu.memref_squeeze %dma_wait3A_209 : memref<1x128xi32, #tpu.memory_space<vmem>> -> memref<128xi32, #tpu.memory_space<vmem>>
        %dma_wait3A_211 = arith.constant 0 : i32
        %dma_wait3A_212 = arith.constant 0 : i32
        %dma_wait3A_213 = tpu.memref_slice %arg2[%dma_wait3A_211, %dma_wait3A_212] : memref<160000x64xf32, #tpu.memory_space<hbm>> -> memref<160000x64xf32, #tpu.memory_space<hbm>>
        tpu.wait_indirect_dma semaphore(%arg19 : memref<!tpu.dma_semaphore, #tpu.memory_space<semaphore_mem>>) src(%dma_wait3A_213 : memref<160000x64xf32, #tpu.memory_space<hbm>>) dst(%arg13 : memref<128x64xf32, #tpu.memory_space<vmem>>)
        %dma_start3A_214 = arith.constant 0 : i32
        %dma_start3A_215 = tpu.memref_slice %arg10[%add3A_207, %dma_start3A_214] : memref<157x128xi32, #tpu.memory_space<vmem>> -> memref<1x128xi32, #tpu.memory_space<vmem>>
        %dma_start3A_216 = tpu.memref_squeeze %dma_start3A_215 : memref<1x128xi32, #tpu.memory_space<vmem>> -> memref<128xi32, #tpu.memory_space<vmem>>
        %dma_start3A_217 = arith.constant 0 : i32
        %dma_start3A_218 = arith.constant 0 : i32
        %dma_start3A_219 = tpu.memref_slice %arg16[%dma_start3A_217, %dma_start3A_218] : memref<10240x64xf32, #tpu.memory_space<vmem_shared>> -> memref<10240x64xf32, #tpu.memory_space<vmem_shared>>
        tpu.enqueue_indirect_dma source(%arg13 : memref<128x64xf32, #tpu.memory_space<vmem>>) target(%dma_start3A_219 : memref<10240x64xf32, #tpu.memory_space<vmem_shared>>) offsets(%dma_start3A_216 : memref<128xi32, #tpu.memory_space<vmem>>) semaphore(%arg21 : memref<!tpu.dma_semaphore, #tpu.memory_space<semaphore_mem>>) {add = true}
        %eq3A_220 = arith.constant 0 : i32
        %eq3A_221 = arith.cmpi eq, %arg0, %eq3A_220 : i32
        %convert_element_type3A_222 = arith.extui %eq3A_221 : i1 to i32
        %cond3A_223 = arith.constant 0 : i32
        %cond3A_224 = arith.cmpi ne, %convert_element_type3A_222, %cond3A_223 : i32
        scf.if %cond3A_224 {
          %get3A = arith.index_cast %add3A_207 : i32 to index
          %get3A_238 = arith.constant 0 : index
          %get3A_239 = tpu.vector_load %arg10[%get3A, %get3A_238] {strides = array<i32>} : memref<157x128xi32, #tpu.memory_space<vmem>>, vector<16xi32>,
          tpu.vector_store_idx %arg15[%get3A_239], %broadcast_in_dim3A_1 {add = true} : memref<10240xf32, #tpu.memory_space<vmem>>[vector<16xi32>], vector<16xf32>,
          %get3A_240 = arith.index_cast %add3A_207 : i32 to index
          %get3A_241 = arith.constant 16 : index
          %get3A_242 = tpu.vector_load %arg10[%get3A_240, %get3A_241] {strides = array<i32>} : memref<157x128xi32, #tpu.memory_space<vmem>>, vector<16xi32>,
          tpu.vector_store_idx %arg15[%get3A_242], %broadcast_in_dim3A_1 {add = true} : memref<10240xf32, #tpu.memory_space<vmem>>[vector<16xi32>], vector<16xf32>,
          %get3A_243 = arith.index_cast %add3A_207 : i32 to index
          %get3A_244 = arith.constant 32 : index
          %get3A_245 = tpu.vector_load %arg10[%get3A_243, %get3A_244] {strides = array<i32>} : memref<157x128xi32, #tpu.memory_space<vmem>>, vector<16xi32>,
          tpu.vector_store_idx %arg15[%get3A_245], %broadcast_in_dim3A_1 {add = true} : memref<10240xf32, #tpu.memory_space<vmem>>[vector<16xi32>], vector<16xf32>,
          %get3A_246 = arith.index_cast %add3A_207 : i32 to index
          %get3A_247 = arith.constant 48 : index
          %get3A_248 = tpu.vector_load %arg10[%get3A_246, %get3A_247] {strides = array<i32>} : memref<157x128xi32, #tpu.memory_space<vmem>>, vector<16xi32>,
          tpu.vector_store_idx %arg15[%get3A_248], %broadcast_in_dim3A_1 {add = true} : memref<10240xf32, #tpu.memory_space<vmem>>[vector<16xi32>], vector<16xf32>,
          %get3A_249 = arith.index_cast %add3A_207 : i32 to index
          %get3A_250 = arith.constant 64 : index
          %get3A_251 = tpu.vector_load %arg10[%get3A_249, %get3A_250] {strides = array<i32>} : memref<157x128xi32, #tpu.memory_space<vmem>>, vector<16xi32>,
          tpu.vector_store_idx %arg15[%get3A_251], %broadcast_in_dim3A_1 {add = true} : memref<10240xf32, #tpu.memory_space<vmem>>[vector<16xi32>], vector<16xf32>,
          %get3A_252 = arith.index_cast %add3A_207 : i32 to index
          %get3A_253 = arith.constant 80 : index
          %get3A_254 = tpu.vector_load %arg10[%get3A_252, %get3A_253] {strides = array<i32>} : memref<157x128xi32, #tpu.memory_space<vmem>>, vector<16xi32>,
          tpu.vector_store_idx %arg15[%get3A_254], %broadcast_in_dim3A_1 {add = true} : memref<10240xf32, #tpu.memory_space<vmem>>[vector<16xi32>], vector<16xf32>,
          %get3A_255 = arith.index_cast %add3A_207 : i32 to index
          %get3A_256 = arith.constant 96 : index
          %get3A_257 = tpu.vector_load %arg10[%get3A_255, %get3A_256] {strides = array<i32>} : memref<157x128xi32, #tpu.memory_space<vmem>>, vector<16xi32>,
          tpu.vector_store_idx %arg15[%get3A_257], %broadcast_in_dim3A_1 {add = true} : memref<10240xf32, #tpu.memory_space<vmem>>[vector<16xi32>], vector<16xf32>,
          %get3A_258 = arith.index_cast %add3A_207 : i32 to index
          %get3A_259 = arith.constant 112 : index
          %get3A_260 = tpu.vector_load %arg10[%get3A_258, %get3A_259] {strides = array<i32>} : memref<157x128xi32, #tpu.memory_space<vmem>>, vector<16xi32>,
          tpu.vector_store_idx %arg15[%get3A_260], %broadcast_in_dim3A_1 {add = true} : memref<10240xf32, #tpu.memory_space<vmem>>[vector<16xi32>], vector<16xf32>,
        } else {
        }
        %dma_wait3A_225 = arith.constant 0 : i32
        %dma_wait3A_226 = tpu.memref_slice %arg10[%add3A_207, %dma_wait3A_225] : memref<157x128xi32, #tpu.memory_space<vmem>> -> memref<1x128xi32, #tpu.memory_space<vmem>>
        %dma_wait3A_227 = tpu.memref_squeeze %dma_wait3A_226 : memref<1x128xi32, #tpu.memory_space<vmem>> -> memref<128xi32, #tpu.memory_space<vmem>>
        %dma_wait3A_228 = arith.constant 0 : i32
        %dma_wait3A_229 = arith.constant 0 : i32
        %dma_wait3A_230 = tpu.memref_slice %arg16[%dma_wait3A_228, %dma_wait3A_229] : memref<10240x64xf32, #tpu.memory_space<vmem_shared>> -> memref<10240x64xf32, #tpu.memory_space<vmem_shared>>
        tpu.wait_indirect_dma semaphore(%arg21 : memref<!tpu.dma_semaphore, #tpu.memory_space<semaphore_mem>>) src(%arg13 : memref<128x64xf32, #tpu.memory_space<vmem>>) dst(%dma_wait3A_230 : memref<10240x64xf32, #tpu.memory_space<vmem_shared>>)
        %add3A_231 = arith.constant 4 : i32
        %add3A_232 = arith.addi %add3A_207, %add3A_231 : i32
        %lt3A_233 = arith.constant 157 : i32
        %lt3A_234 = arith.cmpi slt, %add3A_232, %lt3A_233 : i32
        %convert_element_type3A_235 = arith.extui %lt3A_234 : i1 to i32
        %cond3A_236 = arith.constant 0 : i32
        %cond3A_237 = arith.cmpi ne, %convert_element_type3A_235, %cond3A_236 : i32
        scf.if %cond3A_237 {
          %add3A_238 = arith.constant 4 : i32
          %add3A_239 = arith.addi %add3A_207, %add3A_238 : i32
          %dma_start3A_240 = arith.constant 0 : i32
          %dma_start3A_241 = tpu.memref_slice %arg9[%add3A_239, %dma_start3A_240] : memref<157x128xi32, #tpu.memory_space<vmem>> -> memref<1x128xi32, #tpu.memory_space<vmem>>
          %dma_start3A_242 = tpu.memref_squeeze %dma_start3A_241 : memref<1x128xi32, #tpu.memory_space<vmem>> -> memref<128xi32, #tpu.memory_space<vmem>>
          %dma_start3A_243 = arith.constant 0 : i32
          %dma_start3A_244 = arith.constant 0 : i32
          %dma_start3A_245 = tpu.memref_slice %arg2[%dma_start3A_243, %dma_start3A_244] : memref<160000x64xf32, #tpu.memory_space<hbm>> -> memref<160000x64xf32, #tpu.memory_space<hbm>>
          tpu.enqueue_indirect_dma source(%dma_start3A_245 : memref<160000x64xf32, #tpu.memory_space<hbm>>) target(%arg13 : memref<128x64xf32, #tpu.memory_space<vmem>>) offsets(%dma_start3A_242 : memref<128xi32, #tpu.memory_space<vmem>>) semaphore(%arg19 : memref<!tpu.dma_semaphore, #tpu.memory_space<semaphore_mem>>)
        } else {
        }
      } else {
      }
      %add3A_199 = arith.constant 3 : i32
      %add3A_200 = arith.addi %add3A_156, %add3A_199 : i32
      %lt3A_201 = arith.constant 157 : i32
      %lt3A_202 = arith.cmpi slt, %add3A_200, %lt3A_201 : i32
      %convert_element_type3A_203 = arith.extui %lt3A_202 : i1 to i32
      %cond3A_204 = arith.constant 0 : i32
      %cond3A_205 = arith.cmpi ne, %convert_element_type3A_203, %cond3A_204 : i32
      scf.if %cond3A_205 {
        %add3A_206 = arith.constant 3 : i32
        %add3A_207 = arith.addi %add3A_156, %add3A_206 : i32
        %dma_wait3A_208 = arith.constant 0 : i32
        %dma_wait3A_209 = tpu.memref_slice %arg9[%add3A_207, %dma_wait3A_208] : memref<157x128xi32, #tpu.memory_space<vmem>> -> memref<1x128xi32, #tpu.memory_space<vmem>>
        %dma_wait3A_210 = tpu.memref_squeeze %dma_wait3A_209 : memref<1x128xi32, #tpu.memory_space<vmem>> -> memref<128xi32, #tpu.memory_space<vmem>>
        %dma_wait3A_211 = arith.constant 0 : i32
        %dma_wait3A_212 = arith.constant 0 : i32
        %dma_wait3A_213 = tpu.memref_slice %arg2[%dma_wait3A_211, %dma_wait3A_212] : memref<160000x64xf32, #tpu.memory_space<hbm>> -> memref<160000x64xf32, #tpu.memory_space<hbm>>
        tpu.wait_indirect_dma semaphore(%arg20 : memref<!tpu.dma_semaphore, #tpu.memory_space<semaphore_mem>>) src(%dma_wait3A_213 : memref<160000x64xf32, #tpu.memory_space<hbm>>) dst(%arg14 : memref<128x64xf32, #tpu.memory_space<vmem>>)
        %dma_start3A_214 = arith.constant 0 : i32
        %dma_start3A_215 = tpu.memref_slice %arg10[%add3A_207, %dma_start3A_214] : memref<157x128xi32, #tpu.memory_space<vmem>> -> memref<1x128xi32, #tpu.memory_space<vmem>>
        %dma_start3A_216 = tpu.memref_squeeze %dma_start3A_215 : memref<1x128xi32, #tpu.memory_space<vmem>> -> memref<128xi32, #tpu.memory_space<vmem>>
        %dma_start3A_217 = arith.constant 0 : i32
        %dma_start3A_218 = arith.constant 0 : i32
        %dma_start3A_219 = tpu.memref_slice %arg16[%dma_start3A_217, %dma_start3A_218] : memref<10240x64xf32, #tpu.memory_space<vmem_shared>> -> memref<10240x64xf32, #tpu.memory_space<vmem_shared>>
        tpu.enqueue_indirect_dma source(%arg14 : memref<128x64xf32, #tpu.memory_space<vmem>>) target(%dma_start3A_219 : memref<10240x64xf32, #tpu.memory_space<vmem_shared>>) offsets(%dma_start3A_216 : memref<128xi32, #tpu.memory_space<vmem>>) semaphore(%arg21 : memref<!tpu.dma_semaphore, #tpu.memory_space<semaphore_mem>>) {add = true}
        %eq3A_220 = arith.constant 1 : i32
        %eq3A_221 = arith.cmpi eq, %arg0, %eq3A_220 : i32
        %convert_element_type3A_222 = arith.extui %eq3A_221 : i1 to i32
        %cond3A_223 = arith.constant 0 : i32
        %cond3A_224 = arith.cmpi ne, %convert_element_type3A_222, %cond3A_223 : i32
        scf.if %cond3A_224 {
          %get3A = arith.index_cast %add3A_207 : i32 to index
          %get3A_238 = arith.constant 0 : index
          %get3A_239 = tpu.vector_load %arg10[%get3A, %get3A_238] {strides = array<i32>} : memref<157x128xi32, #tpu.memory_space<vmem>>, vector<16xi32>,
          tpu.vector_store_idx %arg15[%get3A_239], %broadcast_in_dim3A_1 {add = true} : memref<10240xf32, #tpu.memory_space<vmem>>[vector<16xi32>], vector<16xf32>,
          %get3A_240 = arith.index_cast %add3A_207 : i32 to index
          %get3A_241 = arith.constant 16 : index
          %get3A_242 = tpu.vector_load %arg10[%get3A_240, %get3A_241] {strides = array<i32>} : memref<157x128xi32, #tpu.memory_space<vmem>>, vector<16xi32>,
          tpu.vector_store_idx %arg15[%get3A_242], %broadcast_in_dim3A_1 {add = true} : memref<10240xf32, #tpu.memory_space<vmem>>[vector<16xi32>], vector<16xf32>,
          %get3A_243 = arith.index_cast %add3A_207 : i32 to index
          %get3A_244 = arith.constant 32 : index
          %get3A_245 = tpu.vector_load %arg10[%get3A_243, %get3A_244] {strides = array<i32>} : memref<157x128xi32, #tpu.memory_space<vmem>>, vector<16xi32>,
          tpu.vector_store_idx %arg15[%get3A_245], %broadcast_in_dim3A_1 {add = true} : memref<10240xf32, #tpu.memory_space<vmem>>[vector<16xi32>], vector<16xf32>,
          %get3A_246 = arith.index_cast %add3A_207 : i32 to index
          %get3A_247 = arith.constant 48 : index
          %get3A_248 = tpu.vector_load %arg10[%get3A_246, %get3A_247] {strides = array<i32>} : memref<157x128xi32, #tpu.memory_space<vmem>>, vector<16xi32>,
          tpu.vector_store_idx %arg15[%get3A_248], %broadcast_in_dim3A_1 {add = true} : memref<10240xf32, #tpu.memory_space<vmem>>[vector<16xi32>], vector<16xf32>,
          %get3A_249 = arith.index_cast %add3A_207 : i32 to index
          %get3A_250 = arith.constant 64 : index
          %get3A_251 = tpu.vector_load %arg10[%get3A_249, %get3A_250] {strides = array<i32>} : memref<157x128xi32, #tpu.memory_space<vmem>>, vector<16xi32>,
          tpu.vector_store_idx %arg15[%get3A_251], %broadcast_in_dim3A_1 {add = true} : memref<10240xf32, #tpu.memory_space<vmem>>[vector<16xi32>], vector<16xf32>,
          %get3A_252 = arith.index_cast %add3A_207 : i32 to index
          %get3A_253 = arith.constant 80 : index
          %get3A_254 = tpu.vector_load %arg10[%get3A_252, %get3A_253] {strides = array<i32>} : memref<157x128xi32, #tpu.memory_space<vmem>>, vector<16xi32>,
          tpu.vector_store_idx %arg15[%get3A_254], %broadcast_in_dim3A_1 {add = true} : memref<10240xf32, #tpu.memory_space<vmem>>[vector<16xi32>], vector<16xf32>,
          %get3A_255 = arith.index_cast %add3A_207 : i32 to index
          %get3A_256 = arith.constant 96 : index
          %get3A_257 = tpu.vector_load %arg10[%get3A_255, %get3A_256] {strides = array<i32>} : memref<157x128xi32, #tpu.memory_space<vmem>>, vector<16xi32>,
          tpu.vector_store_idx %arg15[%get3A_257], %broadcast_in_dim3A_1 {add = true} : memref<10240xf32, #tpu.memory_space<vmem>>[vector<16xi32>], vector<16xf32>,
          %get3A_258 = arith.index_cast %add3A_207 : i32 to index
          %get3A_259 = arith.constant 112 : index
          %get3A_260 = tpu.vector_load %arg10[%get3A_258, %get3A_259] {strides = array<i32>} : memref<157x128xi32, #tpu.memory_space<vmem>>, vector<16xi32>,
          tpu.vector_store_idx %arg15[%get3A_260], %broadcast_in_dim3A_1 {add = true} : memref<10240xf32, #tpu.memory_space<vmem>>[vector<16xi32>], vector<16xf32>,
        } else {
        }
        %dma_wait3A_225 = arith.constant 0 : i32
        %dma_wait3A_226 = tpu.memref_slice %arg10[%add3A_207, %dma_wait3A_225] : memref<157x128xi32, #tpu.memory_space<vmem>> -> memref<1x128xi32, #tpu.memory_space<vmem>>
        %dma_wait3A_227 = tpu.memref_squeeze %dma_wait3A_226 : memref<1x128xi32, #tpu.memory_space<vmem>> -> memref<128xi32, #tpu.memory_space<vmem>>
        %dma_wait3A_228 = arith.constant 0 : i32
        %dma_wait3A_229 = arith.constant 0 : i32
        %dma_wait3A_230 = tpu.memref_slice %arg16[%dma_wait3A_228, %dma_wait3A_229] : memref<10240x64xf32, #tpu.memory_space<vmem_shared>> -> memref<10240x64xf32, #tpu.memory_space<vmem_shared>>
        tpu.wait_indirect_dma semaphore(%arg21 : memref<!tpu.dma_semaphore, #tpu.memory_space<semaphore_mem>>) src(%arg14 : memref<128x64xf32, #tpu.memory_space<vmem>>) dst(%dma_wait3A_230 : memref<10240x64xf32, #tpu.memory_space<vmem_shared>>)
        %add3A_231 = arith.constant 4 : i32
        %add3A_232 = arith.addi %add3A_207, %add3A_231 : i32
        %lt3A_233 = arith.constant 157 : i32
        %lt3A_234 = arith.cmpi slt, %add3A_232, %lt3A_233 : i32
        %convert_element_type3A_235 = arith.extui %lt3A_234 : i1 to i32
        %cond3A_236 = arith.constant 0 : i32
        %cond3A_237 = arith.cmpi ne, %convert_element_type3A_235, %cond3A_236 : i32
        scf.if %cond3A_237 {
          %add3A_238 = arith.constant 4 : i32
          %add3A_239 = arith.addi %add3A_207, %add3A_238 : i32
          %dma_start3A_240 = arith.constant 0 : i32
          %dma_start3A_241 = tpu.memref_slice %arg9[%add3A_239, %dma_start3A_240] : memref<157x128xi32, #tpu.memory_space<vmem>> -> memref<1x128xi32, #tpu.memory_space<vmem>>
          %dma_start3A_242 = tpu.memref_squeeze %dma_start3A_241 : memref<1x128xi32, #tpu.memory_space<vmem>> -> memref<128xi32, #tpu.memory_space<vmem>>
          %dma_start3A_243 = arith.constant 0 : i32
          %dma_start3A_244 = arith.constant 0 : i32
          %dma_start3A_245 = tpu.memref_slice %arg2[%dma_start3A_243, %dma_start3A_244] : memref<160000x64xf32, #tpu.memory_space<hbm>> -> memref<160000x64xf32, #tpu.memory_space<hbm>>
          tpu.enqueue_indirect_dma source(%dma_start3A_245 : memref<160000x64xf32, #tpu.memory_space<hbm>>) target(%arg14 : memref<128x64xf32, #tpu.memory_space<vmem>>) offsets(%dma_start3A_242 : memref<128xi32, #tpu.memory_space<vmem>>) semaphore(%arg20 : memref<!tpu.dma_semaphore, #tpu.memory_space<semaphore_mem>>)
        } else {
        }
      } else {
      }
    }
    %scan3A_72 = arith.constant 40 : i32
    %barrier3A_73 = arith.constant 0 : index
    tpu.barrier barrier_id(%barrier3A_73)
    %mul3A_74 = arith.constant 10240 : i32
    %mul3A_75 = arith.muli %arg0, %mul3A_74 : i32
    %add3A_76 = arith.addi %mul3A_75, %mul3A_0 : i32
    %add3A_77 = arith.constant 0 : i32
    %add3A_78 = arith.addi %mul3A_0, %add3A_77 : i32
    "tpu.region"() ({
      %run_scoped3A = tpu.sem_alloc : memref<!tpu.dma_semaphore, #tpu.memory_space<semaphore_mem>>
      %dma_start3A_152 = arith.constant 0 : i32
      %dma_start3A_153 = tpu.memref_slice %arg16[%add3A_78, %dma_start3A_152] : memref<10240x64xf32, #tpu.memory_space<vmem_shared>> -> memref<128x64xf32, #tpu.memory_space<vmem_shared>>
      %dma_start3A_154 = arith.constant 0 : i32
      %dma_start3A_155 = tpu.memref_slice %arg16[%add3A_78, %dma_start3A_154] : memref<10240x64xf32, #tpu.memory_space<vmem_shared>> -> memref<128x64xf32, #tpu.memory_space<vmem_shared>>
      tpu.enqueue_dma source(%dma_start3A_155 : memref<128x64xf32, #tpu.memory_space<vmem_shared>>) target(%arg11 : memref<128x64xf32, #tpu.memory_space<vmem>>) target_semaphore(%run_scoped3A : memref<!tpu.dma_semaphore, #tpu.memory_space<semaphore_mem>>)
      %dma_wait3A_156 = arith.constant 0 : i32
      %dma_wait3A_157 = tpu.memref_slice %arg16[%add3A_78, %dma_wait3A_156] : memref<10240x64xf32, #tpu.memory_space<vmem_shared>> -> memref<128x64xf32, #tpu.memory_space<vmem_shared>>
      %dma_wait3A_158 = arith.constant 0 : i32
      %dma_wait3A_159 = tpu.memref_slice %arg16[%add3A_78, %dma_wait3A_158] : memref<10240x64xf32, #tpu.memory_space<vmem_shared>> -> memref<128x64xf32, #tpu.memory_space<vmem_shared>>
      tpu.wait_dma2 semaphore(%run_scoped3A : memref<!tpu.dma_semaphore, #tpu.memory_space<semaphore_mem>>) src(%dma_wait3A_159 : memref<128x64xf32, #tpu.memory_space<vmem_shared>>) dst(%arg11 : memref<128x64xf32, #tpu.memory_space<vmem>>)
      tpu.yield
    }) : () -> ()
    %add3A_79 = arith.constant 0 : i32
    %add3A_80 = arith.addi %add3A_76, %add3A_79 : i32
    %dma_start3A_81 = arith.constant 0 : i32
    %dma_start3A_82 = tpu.memref_slice %arg7[%add3A_80, %dma_start3A_81] : memref<20480x64xf32, #tpu.memory_space<hbm>> -> memref<128x64xf32, #tpu.memory_space<hbm>>
    %dma_start3A_83 = arith.constant 0 : i32
    %dma_start3A_84 = tpu.memref_slice %arg7[%add3A_80, %dma_start3A_83] : memref<20480x64xf32, #tpu.memory_space<hbm>> -> memref<128x64xf32, #tpu.memory_space<hbm>>
    tpu.enqueue_dma source(%arg11 : memref<128x64xf32, #tpu.memory_space<vmem>>) target(%dma_start3A_84 : memref<128x64xf32, #tpu.memory_space<hbm>>) target_semaphore(%arg17 : memref<!tpu.dma_semaphore, #tpu.memory_space<semaphore_mem>>)
    %add3A_85 = arith.constant 128 : i32
    %add3A_86 = arith.addi %mul3A_0, %add3A_85 : i32
    "tpu.region"() ({
      %run_scoped3A = tpu.sem_alloc : memref<!tpu.dma_semaphore, #tpu.memory_space<semaphore_mem>>
      %dma_start3A_152 = arith.constant 0 : i32
      %dma_start3A_153 = tpu.memref_slice %arg16[%add3A_86, %dma_start3A_152] : memref<10240x64xf32, #tpu.memory_space<vmem_shared>> -> memref<128x64xf32, #tpu.memory_space<vmem_shared>>
      %dma_start3A_154 = arith.constant 0 : i32
      %dma_start3A_155 = tpu.memref_slice %arg16[%add3A_86, %dma_start3A_154] : memref<10240x64xf32, #tpu.memory_space<vmem_shared>> -> memref<128x64xf32, #tpu.memory_space<vmem_shared>>
      tpu.enqueue_dma source(%dma_start3A_155 : memref<128x64xf32, #tpu.memory_space<vmem_shared>>) target(%arg12 : memref<128x64xf32, #tpu.memory_space<vmem>>) target_semaphore(%run_scoped3A : memref<!tpu.dma_semaphore, #tpu.memory_space<semaphore_mem>>)
      %dma_wait3A_156 = arith.constant 0 : i32
      %dma_wait3A_157 = tpu.memref_slice %arg16[%add3A_86, %dma_wait3A_156] : memref<10240x64xf32, #tpu.memory_space<vmem_shared>> -> memref<128x64xf32, #tpu.memory_space<vmem_shared>>
      %dma_wait3A_158 = arith.constant 0 : i32
      %dma_wait3A_159 = tpu.memref_slice %arg16[%add3A_86, %dma_wait3A_158] : memref<10240x64xf32, #tpu.memory_space<vmem_shared>> -> memref<128x64xf32, #tpu.memory_space<vmem_shared>>
      tpu.wait_dma2 semaphore(%run_scoped3A : memref<!tpu.dma_semaphore, #tpu.memory_space<semaphore_mem>>) src(%dma_wait3A_159 : memref<128x64xf32, #tpu.memory_space<vmem_shared>>) dst(%arg12 : memref<128x64xf32, #tpu.memory_space<vmem>>)
      tpu.yield
    }) : () -> ()
    %add3A_87 = arith.constant 128 : i32
    %add3A_88 = arith.addi %add3A_76, %add3A_87 : i32
    %dma_start3A_89 = arith.constant 0 : i32
    %dma_start3A_90 = tpu.memref_slice %arg7[%add3A_88, %dma_start3A_89] : memref<20480x64xf32, #tpu.memory_space<hbm>> -> memref<128x64xf32, #tpu.memory_space<hbm>>
    %dma_start3A_91 = arith.constant 0 : i32
    %dma_start3A_92 = tpu.memref_slice %arg7[%add3A_88, %dma_start3A_91] : memref<20480x64xf32, #tpu.memory_space<hbm>> -> memref<128x64xf32, #tpu.memory_space<hbm>>
    tpu.enqueue_dma source(%arg12 : memref<128x64xf32, #tpu.memory_space<vmem>>) target(%dma_start3A_92 : memref<128x64xf32, #tpu.memory_space<hbm>>) target_semaphore(%arg18 : memref<!tpu.dma_semaphore, #tpu.memory_space<semaphore_mem>>)
    %add3A_93 = arith.constant 256 : i32
    %add3A_94 = arith.addi %mul3A_0, %add3A_93 : i32
    "tpu.region"() ({
      %run_scoped3A = tpu.sem_alloc : memref<!tpu.dma_semaphore, #tpu.memory_space<semaphore_mem>>
      %dma_start3A_152 = arith.constant 0 : i32
      %dma_start3A_153 = tpu.memref_slice %arg16[%add3A_94, %dma_start3A_152] : memref<10240x64xf32, #tpu.memory_space<vmem_shared>> -> memref<128x64xf32, #tpu.memory_space<vmem_shared>>
      %dma_start3A_154 = arith.constant 0 : i32
      %dma_start3A_155 = tpu.memref_slice %arg16[%add3A_94, %dma_start3A_154] : memref<10240x64xf32, #tpu.memory_space<vmem_shared>> -> memref<128x64xf32, #tpu.memory_space<vmem_shared>>
      tpu.enqueue_dma source(%dma_start3A_155 : memref<128x64xf32, #tpu.memory_space<vmem_shared>>) target(%arg13 : memref<128x64xf32, #tpu.memory_space<vmem>>) target_semaphore(%run_scoped3A : memref<!tpu.dma_semaphore, #tpu.memory_space<semaphore_mem>>)
      %dma_wait3A_156 = arith.constant 0 : i32
      %dma_wait3A_157 = tpu.memref_slice %arg16[%add3A_94, %dma_wait3A_156] : memref<10240x64xf32, #tpu.memory_space<vmem_shared>> -> memref<128x64xf32, #tpu.memory_space<vmem_shared>>
      %dma_wait3A_158 = arith.constant 0 : i32
      %dma_wait3A_159 = tpu.memref_slice %arg16[%add3A_94, %dma_wait3A_158] : memref<10240x64xf32, #tpu.memory_space<vmem_shared>> -> memref<128x64xf32, #tpu.memory_space<vmem_shared>>
      tpu.wait_dma2 semaphore(%run_scoped3A : memref<!tpu.dma_semaphore, #tpu.memory_space<semaphore_mem>>) src(%dma_wait3A_159 : memref<128x64xf32, #tpu.memory_space<vmem_shared>>) dst(%arg13 : memref<128x64xf32, #tpu.memory_space<vmem>>)
      tpu.yield
    }) : () -> ()
    %add3A_95 = arith.constant 256 : i32
    %add3A_96 = arith.addi %add3A_76, %add3A_95 : i32
    %dma_start3A_97 = arith.constant 0 : i32
    %dma_start3A_98 = tpu.memref_slice %arg7[%add3A_96, %dma_start3A_97] : memref<20480x64xf32, #tpu.memory_space<hbm>> -> memref<128x64xf32, #tpu.memory_space<hbm>>
    %dma_start3A_99 = arith.constant 0 : i32
    %dma_start3A_100 = tpu.memref_slice %arg7[%add3A_96, %dma_start3A_99] : memref<20480x64xf32, #tpu.memory_space<hbm>> -> memref<128x64xf32, #tpu.memory_space<hbm>>
    tpu.enqueue_dma source(%arg13 : memref<128x64xf32, #tpu.memory_space<vmem>>) target(%dma_start3A_100 : memref<128x64xf32, #tpu.memory_space<hbm>>) target_semaphore(%arg19 : memref<!tpu.dma_semaphore, #tpu.memory_space<semaphore_mem>>)
    %add3A_101 = arith.constant 384 : i32
    %add3A_102 = arith.addi %mul3A_0, %add3A_101 : i32
    "tpu.region"() ({
      %run_scoped3A = tpu.sem_alloc : memref<!tpu.dma_semaphore, #tpu.memory_space<semaphore_mem>>
      %dma_start3A_152 = arith.constant 0 : i32
      %dma_start3A_153 = tpu.memref_slice %arg16[%add3A_102, %dma_start3A_152] : memref<10240x64xf32, #tpu.memory_space<vmem_shared>> -> memref<128x64xf32, #tpu.memory_space<vmem_shared>>
      %dma_start3A_154 = arith.constant 0 : i32
      %dma_start3A_155 = tpu.memref_slice %arg16[%add3A_102, %dma_start3A_154] : memref<10240x64xf32, #tpu.memory_space<vmem_shared>> -> memref<128x64xf32, #tpu.memory_space<vmem_shared>>
      tpu.enqueue_dma source(%dma_start3A_155 : memref<128x64xf32, #tpu.memory_space<vmem_shared>>) target(%arg14 : memref<128x64xf32, #tpu.memory_space<vmem>>) target_semaphore(%run_scoped3A : memref<!tpu.dma_semaphore, #tpu.memory_space<semaphore_mem>>)
      %dma_wait3A_156 = arith.constant 0 : i32
      %dma_wait3A_157 = tpu.memref_slice %arg16[%add3A_102, %dma_wait3A_156] : memref<10240x64xf32, #tpu.memory_space<vmem_shared>> -> memref<128x64xf32, #tpu.memory_space<vmem_shared>>
      %dma_wait3A_158 = arith.constant 0 : i32
      %dma_wait3A_159 = tpu.memref_slice %arg16[%add3A_102, %dma_wait3A_158] : memref<10240x64xf32, #tpu.memory_space<vmem_shared>> -> memref<128x64xf32, #tpu.memory_space<vmem_shared>>
      tpu.wait_dma2 semaphore(%run_scoped3A : memref<!tpu.dma_semaphore, #tpu.memory_space<semaphore_mem>>) src(%dma_wait3A_159 : memref<128x64xf32, #tpu.memory_space<vmem_shared>>) dst(%arg14 : memref<128x64xf32, #tpu.memory_space<vmem>>)
      tpu.yield
    }) : () -> ()
    %add3A_103 = arith.constant 384 : i32
    %add3A_104 = arith.addi %add3A_76, %add3A_103 : i32
    %dma_start3A_105 = arith.constant 0 : i32
    %dma_start3A_106 = tpu.memref_slice %arg7[%add3A_104, %dma_start3A_105] : memref<20480x64xf32, #tpu.memory_space<hbm>> -> memref<128x64xf32, #tpu.memory_space<hbm>>
    %dma_start3A_107 = arith.constant 0 : i32
    %dma_start3A_108 = tpu.memref_slice %arg7[%add3A_104, %dma_start3A_107] : memref<20480x64xf32, #tpu.memory_space<hbm>> -> memref<128x64xf32, #tpu.memory_space<hbm>>
    tpu.enqueue_dma source(%arg14 : memref<128x64xf32, #tpu.memory_space<vmem>>) target(%dma_start3A_108 : memref<128x64xf32, #tpu.memory_space<hbm>>) target_semaphore(%arg20 : memref<!tpu.dma_semaphore, #tpu.memory_space<semaphore_mem>>)
    %mul3A_109 = arith.constant 16 : i32
    %mul3A_110 = arith.muli %arg0, %mul3A_109 : i32
    %add3A_111 = arith.addi %mul3A_110, %arg1 : i32
    %dma_start3A_112 = arith.constant 0 : i32
    %dma_start3A_113 = tpu.memref_slice %arg8[%add3A_111, %dma_start3A_112] : memref<32x10240xf32, #tpu.memory_space<hbm>> -> memref<1x10240xf32, #tpu.memory_space<hbm>>
    %dma_start3A_114 = tpu.memref_squeeze %dma_start3A_113 : memref<1x10240xf32, #tpu.memory_space<hbm>> -> memref<10240xf32, #tpu.memory_space<hbm>>
    %dma_start3A_115 = arith.constant 0 : i32
    %dma_start3A_116 = tpu.memref_slice %arg8[%add3A_111, %dma_start3A_115] : memref<32x10240xf32, #tpu.memory_space<hbm>> -> memref<1x10240xf32, #tpu.memory_space<hbm>>
    %dma_start3A_117 = tpu.memref_squeeze %dma_start3A_116 : memref<1x10240xf32, #tpu.memory_space<hbm>> -> memref<10240xf32, #tpu.memory_space<hbm>>
    tpu.enqueue_dma source(%arg15 : memref<10240xf32, #tpu.memory_space<vmem>>) target(%dma_start3A_117 : memref<10240xf32, #tpu.memory_space<hbm>>) target_semaphore(%arg21 : memref<!tpu.dma_semaphore, #tpu.memory_space<semaphore_mem>>)
    %dma_wait3A_118 = arith.constant 0 : i32
    %dma_wait3A_119 = tpu.memref_slice %arg7[%add3A_80, %dma_wait3A_118] : memref<20480x64xf32, #tpu.memory_space<hbm>> -> memref<128x64xf32, #tpu.memory_space<hbm>>
    %dma_wait3A_120 = arith.constant 0 : i32
    %dma_wait3A_121 = tpu.memref_slice %arg7[%add3A_80, %dma_wait3A_120] : memref<20480x64xf32, #tpu.memory_space<hbm>> -> memref<128x64xf32, #tpu.memory_space<hbm>>
    tpu.wait_dma2 semaphore(%arg17 : memref<!tpu.dma_semaphore, #tpu.memory_space<semaphore_mem>>) src(%arg11 : memref<128x64xf32, #tpu.memory_space<vmem>>) dst(%dma_wait3A_121 : memref<128x64xf32, #tpu.memory_space<hbm>>)
    %add3A_122 = arith.constant 512 : i32
    %add3A_123 = arith.addi %mul3A_0, %add3A_122 : i32
    "tpu.region"() ({
      %run_scoped3A = tpu.sem_alloc : memref<!tpu.dma_semaphore, #tpu.memory_space<semaphore_mem>>
      %dma_start3A_152 = arith.constant 0 : i32
      %dma_start3A_153 = tpu.memref_slice %arg16[%add3A_123, %dma_start3A_152] : memref<10240x64xf32, #tpu.memory_space<vmem_shared>> -> memref<128x64xf32, #tpu.memory_space<vmem_shared>>
      %dma_start3A_154 = arith.constant 0 : i32
      %dma_start3A_155 = tpu.memref_slice %arg16[%add3A_123, %dma_start3A_154] : memref<10240x64xf32, #tpu.memory_space<vmem_shared>> -> memref<128x64xf32, #tpu.memory_space<vmem_shared>>
      tpu.enqueue_dma source(%dma_start3A_155 : memref<128x64xf32, #tpu.memory_space<vmem_shared>>) target(%arg11 : memref<128x64xf32, #tpu.memory_space<vmem>>) target_semaphore(%run_scoped3A : memref<!tpu.dma_semaphore, #tpu.memory_space<semaphore_mem>>)
      %dma_wait3A_156 = arith.constant 0 : i32
      %dma_wait3A_157 = tpu.memref_slice %arg16[%add3A_123, %dma_wait3A_156] : memref<10240x64xf32, #tpu.memory_space<vmem_shared>> -> memref<128x64xf32, #tpu.memory_space<vmem_shared>>
      %dma_wait3A_158 = arith.constant 0 : i32
      %dma_wait3A_159 = tpu.memref_slice %arg16[%add3A_123, %dma_wait3A_158] : memref<10240x64xf32, #tpu.memory_space<vmem_shared>> -> memref<128x64xf32, #tpu.memory_space<vmem_shared>>
      tpu.wait_dma2 semaphore(%run_scoped3A : memref<!tpu.dma_semaphore, #tpu.memory_space<semaphore_mem>>) src(%dma_wait3A_159 : memref<128x64xf32, #tpu.memory_space<vmem_shared>>) dst(%arg11 : memref<128x64xf32, #tpu.memory_space<vmem>>)
      tpu.yield
    }) : () -> ()
    %add3A_124 = arith.constant 512 : i32
    %add3A_125 = arith.addi %add3A_76, %add3A_124 : i32
    %dma_start3A_126 = arith.constant 0 : i32
    %dma_start3A_127 = tpu.memref_slice %arg7[%add3A_125, %dma_start3A_126] : memref<20480x64xf32, #tpu.memory_space<hbm>> -> memref<128x64xf32, #tpu.memory_space<hbm>>
    %dma_start3A_128 = arith.constant 0 : i32
    %dma_start3A_129 = tpu.memref_slice %arg7[%add3A_125, %dma_start3A_128] : memref<20480x64xf32, #tpu.memory_space<hbm>> -> memref<128x64xf32, #tpu.memory_space<hbm>>
    tpu.enqueue_dma source(%arg11 : memref<128x64xf32, #tpu.memory_space<vmem>>) target(%dma_start3A_129 : memref<128x64xf32, #tpu.memory_space<hbm>>) target_semaphore(%arg17 : memref<!tpu.dma_semaphore, #tpu.memory_space<semaphore_mem>>)
    %dma_wait3A_130 = arith.constant 0 : i32
    %dma_wait3A_131 = tpu.memref_slice %arg7[%add3A_88, %dma_wait3A_130] : memref<20480x64xf32, #tpu.memory_space<hbm>> -> memref<128x64xf32, #tpu.memory_space<hbm>>
    %dma_wait3A_132 = arith.constant 0 : i32
    %dma_wait3A_133 = tpu.memref_slice %arg7[%add3A_88, %dma_wait3A_132] : memref<20480x64xf32, #tpu.memory_space<hbm>> -> memref<128x64xf32, #tpu.memory_space<hbm>>
    tpu.wait_dma2 semaphore(%arg18 : memref<!tpu.dma_semaphore, #tpu.memory_space<semaphore_mem>>) src(%arg12 : memref<128x64xf32, #tpu.memory_space<vmem>>) dst(%dma_wait3A_133 : memref<128x64xf32, #tpu.memory_space<hbm>>)
    %dma_wait3A_134 = arith.constant 0 : i32
    %dma_wait3A_135 = tpu.memref_slice %arg7[%add3A_96, %dma_wait3A_134] : memref<20480x64xf32, #tpu.memory_space<hbm>> -> memref<128x64xf32, #tpu.memory_space<hbm>>
    %dma_wait3A_136 = arith.constant 0 : i32
    %dma_wait3A_137 = tpu.memref_slice %arg7[%add3A_96, %dma_wait3A_136] : memref<20480x64xf32, #tpu.memory_space<hbm>> -> memref<128x64xf32, #tpu.memory_space<hbm>>
    tpu.wait_dma2 semaphore(%arg19 : memref<!tpu.dma_semaphore, #tpu.memory_space<semaphore_mem>>) src(%arg13 : memref<128x64xf32, #tpu.memory_space<vmem>>) dst(%dma_wait3A_137 : memref<128x64xf32, #tpu.memory_space<hbm>>)
    %dma_wait3A_138 = arith.constant 0 : i32
    %dma_wait3A_139 = tpu.memref_slice %arg7[%add3A_104, %dma_wait3A_138] : memref<20480x64xf32, #tpu.memory_space<hbm>> -> memref<128x64xf32, #tpu.memory_space<hbm>>
    %dma_wait3A_140 = arith.constant 0 : i32
    %dma_wait3A_141 = tpu.memref_slice %arg7[%add3A_104, %dma_wait3A_140] : memref<20480x64xf32, #tpu.memory_space<hbm>> -> memref<128x64xf32, #tpu.memory_space<hbm>>
    tpu.wait_dma2 semaphore(%arg20 : memref<!tpu.dma_semaphore, #tpu.memory_space<semaphore_mem>>) src(%arg14 : memref<128x64xf32, #tpu.memory_space<vmem>>) dst(%dma_wait3A_141 : memref<128x64xf32, #tpu.memory_space<hbm>>)
    %dma_wait3A_142 = arith.constant 0 : i32
    %dma_wait3A_143 = tpu.memref_slice %arg8[%add3A_111, %dma_wait3A_142] : memref<32x10240xf32, #tpu.memory_space<hbm>> -> memref<1x10240xf32, #tpu.memory_space<hbm>>
    %dma_wait3A_144 = tpu.memref_squeeze %dma_wait3A_143 : memref<1x10240xf32, #tpu.memory_space<hbm>> -> memref<10240xf32, #tpu.memory_space<hbm>>
    %dma_wait3A_145 = arith.constant 0 : i32
    %dma_wait3A_146 = tpu.memref_slice %arg8[%add3A_111, %dma_wait3A_145] : memref<32x10240xf32, #tpu.memory_space<hbm>> -> memref<1x10240xf32, #tpu.memory_space<hbm>>
    %dma_wait3A_147 = tpu.memref_squeeze %dma_wait3A_146 : memref<1x10240xf32, #tpu.memory_space<hbm>> -> memref<10240xf32, #tpu.memory_space<hbm>>
    tpu.wait_dma2 semaphore(%arg21 : memref<!tpu.dma_semaphore, #tpu.memory_space<semaphore_mem>>) src(%arg15 : memref<10240xf32, #tpu.memory_space<vmem>>) dst(%dma_wait3A_147 : memref<10240xf32, #tpu.memory_space<hbm>>)
    %dma_wait3A_148 = arith.constant 0 : i32
    %dma_wait3A_149 = tpu.memref_slice %arg7[%add3A_125, %dma_wait3A_148] : memref<20480x64xf32, #tpu.memory_space<hbm>> -> memref<128x64xf32, #tpu.memory_space<hbm>>
    %dma_wait3A_150 = arith.constant 0 : i32
    %dma_wait3A_151 = tpu.memref_slice %arg7[%add3A_125, %dma_wait3A_150] : memref<20480x64xf32, #tpu.memory_space<hbm>> -> memref<128x64xf32, #tpu.memory_space<hbm>>
    tpu.wait_dma2 semaphore(%arg17 : memref<!tpu.dma_semaphore, #tpu.memory_space<semaphore_mem>>) src(%arg11 : memref<128x64xf32, #tpu.memory_space<vmem>>) dst(%dma_wait3A_151 : memref<128x64xf32, #tpu.memory_space<hbm>>)
    return
  }
}

module attributes {stable_mosaic.version = 14 : i64} {
  func.func @_xw_body(%arg0: i32, %arg1: memref<8x4xf32, #tpu.memory_space<smem>>, %arg2: memref<4x128x128xf32, #tpu.memory_space<vmem>>, %arg3: memref<10000x128xf32, #tpu.memory_space<vmem>>, %arg4: memref<2512x128xi32, #tpu.memory_space<vmem>>, %arg5: memref<2512x128xi32, #tpu.memory_space<vmem>>, %arg6: memref<1x10000x128xf32, #tpu.memory_space<vmem>>, %arg7: memref<5024x128xi32, #tpu.memory_space<vmem>>) attributes {dimension_semantics = [#tpu.dimension_semantics<arbitrary>], iteration_bounds = array<i64: 8>, scalar_prefetch = 0 : i64, scratch_operands = 0 : i64, tpu.core_type = #tpu.core_type<tc>, window_params = [{transform_indices = @transform_0, window_bounds = array<i64: 8, 4>}, {pipeline_mode = #tpu.pipeline_mode<synchronous>, transform_indices = @transform_1, window_bounds = array<i64: 4, 128, 128>}, {pipeline_mode = #tpu.pipeline_mode<synchronous>, transform_indices = @transform_2, window_bounds = array<i64: 10000, 128>}, {pipeline_mode = #tpu.pipeline_mode<synchronous>, transform_indices = @transform_3, window_bounds = array<i64: 2512, 128>}, {pipeline_mode = #tpu.pipeline_mode<synchronous>, transform_indices = @transform_4, window_bounds = array<i64: 2512, 128>}, {transform_indices = @transform_5, window_bounds = array<i64: 1, 10000, 128>}, {pipeline_mode = #tpu.pipeline_mode<synchronous>, transform_indices = @transform_6, window_bounds = array<i64: 5024, 128>}]} {
    %get3A = arith.index_cast %arg0 : i32 to index
    %get3A_0 = arith.constant 0 : index
    %get3A_1 = memref.load %arg1[%get3A, %get3A_0] : memref<8x4xf32, #tpu.memory_space<smem>>
    %get3A_2 = arith.constant 0 : index
    %get3A_3 = arith.constant 0 : index
    %get3A_4 = arith.constant 0 : index
    %get3A_5 = vector.load %arg2[%get3A_2, %get3A_3, %get3A_4] : memref<4x128x128xf32, #tpu.memory_space<vmem>>, vector<1x128x128xf32>
    %get3A_6 = vector.shape_cast %get3A_5 : vector<1x128x128xf32> to vector<128x128xf32>
    %mul3A = vector.broadcast %get3A_1 : f32 to vector<128x128xf32>
    %mul3A_7 = arith.mulf %mul3A, %get3A_6 : vector<128x128xf32>
    %get3A_8 = arith.index_cast %arg0 : i32 to index
    %get3A_9 = arith.constant 1 : index
    %get3A_10 = memref.load %arg1[%get3A_8, %get3A_9] : memref<8x4xf32, #tpu.memory_space<smem>>
    %get3A_11 = arith.constant 1 : index
    %get3A_12 = arith.constant 0 : index
    %get3A_13 = arith.constant 0 : index
    %get3A_14 = vector.load %arg2[%get3A_11, %get3A_12, %get3A_13] : memref<4x128x128xf32, #tpu.memory_space<vmem>>, vector<1x128x128xf32>
    %get3A_15 = vector.shape_cast %get3A_14 : vector<1x128x128xf32> to vector<128x128xf32>
    %mul3A_16 = vector.broadcast %get3A_10 : f32 to vector<128x128xf32>
    %mul3A_17 = arith.mulf %mul3A_16, %get3A_15 : vector<128x128xf32>
    %add3A = arith.addf %mul3A_7, %mul3A_17 : vector<128x128xf32>
    %get3A_18 = arith.index_cast %arg0 : i32 to index
    %get3A_19 = arith.constant 2 : index
    %get3A_20 = memref.load %arg1[%get3A_18, %get3A_19] : memref<8x4xf32, #tpu.memory_space<smem>>
    %get3A_21 = arith.constant 2 : index
    %get3A_22 = arith.constant 0 : index
    %get3A_23 = arith.constant 0 : index
    %get3A_24 = vector.load %arg2[%get3A_21, %get3A_22, %get3A_23] : memref<4x128x128xf32, #tpu.memory_space<vmem>>, vector<1x128x128xf32>
    %get3A_25 = vector.shape_cast %get3A_24 : vector<1x128x128xf32> to vector<128x128xf32>
    %mul3A_26 = vector.broadcast %get3A_20 : f32 to vector<128x128xf32>
    %mul3A_27 = arith.mulf %mul3A_26, %get3A_25 : vector<128x128xf32>
    %add3A_28 = arith.addf %add3A, %mul3A_27 : vector<128x128xf32>
    %get3A_29 = arith.index_cast %arg0 : i32 to index
    %get3A_30 = arith.constant 3 : index
    %get3A_31 = memref.load %arg1[%get3A_29, %get3A_30] : memref<8x4xf32, #tpu.memory_space<smem>>
    %get3A_32 = arith.constant 3 : index
    %get3A_33 = arith.constant 0 : index
    %get3A_34 = arith.constant 0 : index
    %get3A_35 = vector.load %arg2[%get3A_32, %get3A_33, %get3A_34] : memref<4x128x128xf32, #tpu.memory_space<vmem>>, vector<1x128x128xf32>
    %get3A_36 = vector.shape_cast %get3A_35 : vector<1x128x128xf32> to vector<128x128xf32>
    %mul3A_37 = vector.broadcast %get3A_31 : f32 to vector<128x128xf32>
    %mul3A_38 = arith.mulf %mul3A_37, %get3A_36 : vector<128x128xf32>
    %add3A_39 = arith.addf %add3A_28, %mul3A_38 : vector<128x128xf32>
    %get3A_40 = arith.constant 0 : index
    %get3A_41 = arith.constant 0 : index
    %get3A_42 = vector.load %arg3[%get3A_40, %get3A_41] : memref<10000x128xf32, #tpu.memory_space<vmem>>, vector<10000x128xf32>
    %dot_general3A = arith.constant dense<0.000000e+00> : vector<10000x128xf32>
    %dot_general3A_43 = tpu.matmul %get3A_42, %add3A_39, %dot_general3A {dimension_numbers = #tpu.dot_dimension_numbers<[1], [0], [0], [1], [0, 0, 1, 1], [], []>, transpose_lhs_hint = false} : vector<10000x128xf32>, vector<128x128xf32>, vector<10000x128xf32> -> vector<10000x128xf32>
    %swap3A = arith.constant 0 : index
    %swap3A_44 = arith.constant 0 : index
    %swap3A_45 = arith.constant 0 : index
    %swap3A_46 = vector.load %arg6[%swap3A, %swap3A_44, %swap3A_45] : memref<1x10000x128xf32, #tpu.memory_space<vmem>>, vector<1x10000x128xf32>
    %swap3A_47 = vector.shape_cast %swap3A_46 : vector<1x10000x128xf32> to vector<10000x128xf32>
    %swap3A_48 = vector.shape_cast %dot_general3A_43 : vector<10000x128xf32> to vector<1x10000x128xf32>
    tpu.vector_store %arg6[%swap3A, %swap3A_44, %swap3A_45], %swap3A_48 {strides = array<i32>} : memref<1x10000x128xf32, #tpu.memory_space<vmem>>, vector<1x10000x128xf32>,
    %eq3A = arith.constant 0 : i32
    %eq3A_49 = arith.cmpi eq, %arg0, %eq3A : i32
    %convert_element_type3A = arith.extui %eq3A_49 : i1 to i32
    %cond3A = arith.constant 0 : i32
    %cond3A_50 = arith.cmpi ne, %convert_element_type3A, %cond3A : i32
    scf.if %cond3A_50 {
      %get3A_51 = arith.constant 0 : index
      %get3A_52 = arith.constant 0 : index
      %get3A_53 = vector.load %arg5[%get3A_51, %get3A_52] : memref<2512x128xi32, #tpu.memory_space<vmem>>, vector<2512x128xi32>
      %mul3A_54 = arith.constant 10000 : i32
      %mul3A_55 = vector.broadcast %mul3A_54 : i32 to vector<2512x128xi32>
      %mul3A_56 = arith.muli %get3A_53, %mul3A_55 : vector<2512x128xi32>
      %get3A_57 = arith.constant 0 : index
      %get3A_58 = arith.constant 0 : index
      %get3A_59 = vector.load %arg4[%get3A_57, %get3A_58] : memref<2512x128xi32, #tpu.memory_space<vmem>>, vector<2512x128xi32>
      %add3A_60 = arith.addi %mul3A_56, %get3A_59 : vector<2512x128xi32>
      %mul3A_61 = arith.constant 2 : i32
      %mul3A_62 = vector.broadcast %mul3A_61 : i32 to vector<2512x128xi32>
      %mul3A_63 = arith.muli %add3A_60, %mul3A_62 : vector<2512x128xi32>
      %swap3A_64 = arith.constant 0 : index
      %swap3A_65 = arith.constant 0 : index
      %swap3A_66 = vector.load %arg7[%swap3A_64, %swap3A_65] : memref<5024x128xi32, #tpu.memory_space<vmem>>, vector<2512x128xi32>
      tpu.vector_store %arg7[%swap3A_64, %swap3A_65], %mul3A_63 {strides = array<i32>} : memref<5024x128xi32, #tpu.memory_space<vmem>>, vector<2512x128xi32>,
      %add3A_67 = arith.constant 1 : i32
      %add3A_68 = vector.broadcast %add3A_67 : i32 to vector<2512x128xi32>
      %add3A_69 = arith.addi %mul3A_63, %add3A_68 : vector<2512x128xi32>
      %swap3A_70 = arith.constant 2512 : index
      %swap3A_71 = arith.constant 0 : index
      %swap3A_72 = vector.load %arg7[%swap3A_70, %swap3A_71] : memref<5024x128xi32, #tpu.memory_space<vmem>>, vector<2512x128xi32>
      tpu.vector_store %arg7[%swap3A_70, %swap3A_71], %add3A_69 {strides = array<i32>} : memref<5024x128xi32, #tpu.memory_space<vmem>>, vector<2512x128xi32>,
    } else {
    }
    return
  }
  func.func @transform_0(%arg0: i32) -> (i32, i32) {
    %c0_i32 = arith.constant 0 : i32
    %c0_i32_0 = arith.constant 0 : i32
    %c0_i32_1 = arith.constant 0 : i32
    return %c0_i32, %c0_i32_0 : i32, i32
  }
  func.func @transform_1(%arg0: i32) -> (i32, i32, i32) {
    %c0_i32 = arith.constant 0 : i32
    %c0_i32_0 = arith.constant 0 : i32
    %c0_i32_1 = arith.constant 0 : i32
    %c0_i32_2 = arith.constant 0 : i32
    return %c0_i32, %c0_i32_0, %c0_i32_1 : i32, i32, i32
  }
  func.func @transform_2(%arg0: i32) -> (i32, i32) {
    %c0_i32 = arith.constant 0 : i32
    %c0_i32_0 = arith.constant 0 : i32
    %c0_i32_1 = arith.constant 0 : i32
    return %c0_i32, %c0_i32_0 : i32, i32
  }
  func.func @transform_3(%arg0: i32) -> (i32, i32) {
    %c0_i32 = arith.constant 0 : i32
    %c0_i32_0 = arith.constant 0 : i32
    %c0_i32_1 = arith.constant 0 : i32
    return %c0_i32, %c0_i32_0 : i32, i32
  }
  func.func @transform_4(%arg0: i32) -> (i32, i32) {
    %c0_i32 = arith.constant 0 : i32
    %c0_i32_0 = arith.constant 0 : i32
    %c0_i32_1 = arith.constant 0 : i32
    return %c0_i32, %c0_i32_0 : i32, i32
  }
  func.func @transform_5(%arg0: i32) -> (i32, i32, i32) {
    %c0_i32 = arith.constant 0 : i32
    %c0_i32_0 = arith.constant 0 : i32
    %c0_i32_1 = arith.constant 0 : i32
    return %arg0, %c0_i32, %c0_i32_0 : i32, i32, i32
  }
  func.func @transform_6(%arg0: i32) -> (i32, i32) {
    %c0_i32 = arith.constant 0 : i32
    %c0_i32_0 = arith.constant 0 : i32
    %c0_i32_1 = arith.constant 0 : i32
    return %c0_i32, %c0_i32_0 : i32, i32
  }
}

module attributes {stable_mosaic.version = 14 : i64} {
  func.func @_norm_body(%arg0: memref<2x10240x64xf32, #tpu.memory_space<vmem>>, %arg1: memref<32x10240xf32, #tpu.memory_space<vmem>>, %arg2: memref<10000x128xf32, #tpu.memory_space<vmem>>) attributes {dimension_semantics = [], scalar_prefetch = 0 : i64, scratch_operands = 0 : i64, tpu.core_type = #tpu.core_type<tc>} {
    %get3A = arith.constant 0 : index
    %get3A_0 = arith.constant 0 : index
    %get3A_1 = vector.load %arg1[%get3A, %get3A_0] : memref<32x10240xf32, #tpu.memory_space<vmem>>, vector<32x10000xf32>
    %reduce_sum3A = arith.constant dense<0.000000e+00> : vector<10000xf32>
    %reduce_sum3A_2 = vector.multi_reduction <add>, %get3A_1, %reduce_sum3A [0] : vector<32x10000xf32> to vector<10000xf32>
    %broadcast_in_dim3A = vector.shape_cast %reduce_sum3A_2 : vector<10000xf32> to vector<10000x1xf32>
    %max3A = arith.constant 1.000000e+00 : f32
    %max3A_3 = vector.broadcast %max3A : f32 to vector<10000x1xf32>
    %max3A_4 = arith.maximumf %broadcast_in_dim3A, %max3A_3 : vector<10000x1xf32>
    %div3A = arith.constant 1.000000e+00 : f32
    %div3A_5 = vector.broadcast %div3A : f32 to vector<10000x1xf32>
    %div3A_6 = arith.divf %div3A_5, %max3A_4 : vector<10000x1xf32>
    %get3A_7 = arith.constant 0 : index
    %get3A_8 = arith.constant 0 : index
    %get3A_9 = arith.constant 0 : index
    %get3A_10 = vector.load %arg0[%get3A_7, %get3A_8, %get3A_9] : memref<2x10240x64xf32, #tpu.memory_space<vmem>>, vector<1x10000x64xf32>
    %get3A_11 = vector.shape_cast %get3A_10 : vector<1x10000x64xf32> to vector<10000x64xf32>
    %mul3A = vector.broadcast %div3A_6 : vector<10000x1xf32> to vector<10000x64xf32>
    %mul3A_12 = arith.mulf %get3A_11, %mul3A : vector<10000x64xf32>
    %swap3A = arith.constant 0 : index
    %swap3A_13 = arith.constant 0 : index
    %swap3A_14 = vector.load %arg2[%swap3A, %swap3A_13] : memref<10000x128xf32, #tpu.memory_space<vmem>>, vector<10000x64xf32>
    tpu.vector_store %arg2[%swap3A, %swap3A_13], %mul3A_12 {strides = array<i32>} : memref<10000x128xf32, #tpu.memory_space<vmem>>, vector<10000x64xf32>,
    %get3A_15 = arith.constant 1 : index
    %get3A_16 = arith.constant 0 : index
    %get3A_17 = arith.constant 0 : index
    %get3A_18 = vector.load %arg0[%get3A_15, %get3A_16, %get3A_17] : memref<2x10240x64xf32, #tpu.memory_space<vmem>>, vector<1x10000x64xf32>
    %get3A_19 = vector.shape_cast %get3A_18 : vector<1x10000x64xf32> to vector<10000x64xf32>
    %mul3A_20 = vector.broadcast %div3A_6 : vector<10000x1xf32> to vector<10000x64xf32>
    %mul3A_21 = arith.mulf %get3A_19, %mul3A_20 : vector<10000x64xf32>
    %swap3A_22 = arith.constant 0 : index
    %swap3A_23 = arith.constant 64 : index
    %swap3A_24 = vector.load %arg2[%swap3A_22, %swap3A_23] : memref<10000x128xf32, #tpu.memory_space<vmem>>, vector<10000x64xf32>
    tpu.vector_store %arg2[%swap3A_22, %swap3A_23], %mul3A_21 {strides = array<i32>} : memref<10000x128xf32, #tpu.memory_space<vmem>>, vector<10000x64xf32>,
    return
  }
}

</mosaic_0001>

<sc_bundles>
// kernel: kernel.5.cloned.1.call-start
scs
__scs_entry_jumppad:
0x0: {  	(pc) =	sbr.rel $0x88, $3  }
0x1: {  	(tag) =	ssettag $0x0;
	lr =	simm.s32 $0x1  }
0x2: {  	[smem:$0x3F9C] =	sst lr;
	_ =	strace $0xD0000000  }
0x3: {  	_ = 	snop  }
0x4: {  	_ = 	snop  }
0x5: {  	_ = 	snop  }
0x6: {  	_ = 	snop  }
0x7: {  	_ = 	snop  }
__scs_overlays_trampoline_lowered:
0x8: {  	[smem:$0x3FAB] =	sst s0  }
0x9: {  	[smem:$0x3FAC] =	sst s1  }
0xa: {  	[smem:$0x3FAD] =	sst s2  }
0xb: {  	[smem:$0x3FAE] =	sst s3  }
0xc: {  	[smem:$0x3FAF] =	sst s4  }
0xd: {  	[smem:$0x3FB0] =	sst s5  }
0xe: {  	[smem:$0x3FB1] =	sst s6  }
0xf: {  	[smem:$0x3FB2] =	sst s7  }
0x10: {  	[smem:$0x3FB3] =	sst s8  }
0x11: {  	[smem:$0x3FB4] =	sst s9;
	s0 =	simm.s32 @!p0 $0x0  }
0x12: {  	s1 =	sld [smem:$0x3F9A];
	s0 =	simm.s32 @p0 $0x1  }
0x13: {  	[smem:$0x3FB5] =	sst s0;
	s0 =	simm.s32 @!p1 $0x0  }
0x14: {  	s2 =	sld [smem:$0x3F99];
	s0 =	simm.s32 @p1 $0x1  }
0x15: {  	[smem:$0x3FB6] =	sst s0;
	s0 =	simm.s32 @!p2 $0x0  }
0x16: {  	s3 =	sld [smem:$0x3FDB];
	s0 =	simm.s32 @p2 $0x1  }
0x17: {  	s4 =	simm.s32 $0x1BF5;
	[smem:$0x3FB8] =	sst s0  }
0x18: {  	s0 =	sld [smem:$0x3F9B];
	_ =	swait.ge [sflag:s4], $0x0  }
0x19: {  	s7 =	sld [smem:$0x3F9C]  }
0x1a: {  	s8 =	sadd.s32 $0xFFFFE003, lr  }
0x1b: {  	s9 =	sadd.s32 $0xFFFFFEF7, lr;
	s5 =	simm.s32 $0xFFFFFFFF;
	p2 =	slt.u32 s8, $0xFFFFF086  }
0x1c: {  	p1 =	slt.u32 s9, $0xF7A;
	s5 =	simm.s32 @!p2 $0x0  }
0x1d: {  	s5 =	simm.s32 @p1 $0x1;
	p0 =	seq.s32 s7, s2  }
0x1e: {  	s7 =	smul.u32 @!p0 $0xF7A, s2;
	p2 =	seq.s32 @!p0 s5, $0x0  }
0x1f: {  	s9 =	smul.u32 $0xF7A, s1;
	s8 =	simm.s32 @!p0 $0x1BF5;
	p2 =	por !p2, p0  }
0x20: {  	[sflag:s8] =	ssyncset.s32 @!p0 $0xFFFFF086;
	s6 =	sadd.s32 @!p0 s3, s7;
	s7 =	simm.s32 @!p0 $0x108  }
0x21: {  	s3 =	sadd.s32 s3, s9;
	s6 =	sadd.s32 @!p0 $0x88, s6;
	s7 =	simm.s32 @p2 $0x1082  }
0x22: {  	[simem:s7], [sflag:s8] =	dma.local @!p0 [hbm:s6], $0xF7A  }
0x23: {  	s9 =	sor.u32 $0xD0000000, s2;
	s6 =	simm.s32 $0x108;
	_ =	swait.ge @!p0 [sflag:s8], $0x0  }
0x24: {  	s3 =	sadd.s32 $0x88, s3;
	s6 =	simm.s32 @!p1 $0x1082;
	[sflag:s4] =	ssyncset.s32 $0xFFFFF086  }
0x25: {  	[simem:s6], [sflag:s4] =	dma.local [hbm:s3], $0xF7A  }
0x26: {  	[smem:$0x3F9C] =	sst s1;
	(tag) =	ssettag s2;
	_ =	strace s9  }
0x27: {  	s1 =	sld [smem:$0x3FAC]  }
0x28: {  	s2 =	sld [smem:$0x3FAD]  }
0x29: {  	s4 =	sld [smem:$0x3FAF]  }
0x2a: {  	p0 =	seq.s32 s5, $0x0;
	s5 =	sld [smem:$0x3FB0]  }
0x2b: {  	s6 =	sld [smem:$0x3FB1]  }
0x2c: {  	s7 =	sld [smem:$0x3FB2]  }
0x2d: {  	s3 =	simm.s32 $0x108;
	s8 =	sld [smem:$0x3FB3]  }
0x2e: {  	s3 =	simm.s32 @!p0 $0x1082;
	s9 =	sld [smem:$0x3FB4]  }
0x2f: {  	lr =	sadd.s32 s0, s3;
	s0 =	sld [smem:$0x3FAB]  }
0x30: {  	s3 =	sld [smem:$0x3FAE]  }
0x31: {  	[smem:$0x3FB7] =	sst s10  }
0x32: {  	s10 =	sld [smem:$0x3FB5];
	_ =	sdelay $0x3  }
0x33: {  	p0 =	seq.s32 s10, $0x1;
	s10 =	sld [smem:$0x3FB7];
	_ =	sdelay $0x3  }
0x34: {  	[smem:$0x3FB7] =	sst s10  }
0x35: {  	s10 =	sld [smem:$0x3FB6];
	_ =	sdelay $0x3  }
0x36: {  	p1 =	seq.s32 s10, $0x1;
	s10 =	sld [smem:$0x3FB7];
	_ =	sdelay $0x3  }
0x37: {  	[smem:$0x3FB7] =	sst s10  }
0x38: {  	s10 =	sld [smem:$0x3FB8]  }
0x39: {  	_ = 	snop;
	(pc) =	sbr.ind lr, $3  }
0x3a: {  	_ = 	snop  }
0x3b: {  	_ = 	snop  }
0x3c: {  	p2 =	seq.s32 s10, $0x1;
	s10 =	sld [smem:$0x3FB7]  }
0x3d: {  	_ =	shalt  }
0x3e: {  	_ =	shalt  }
0x3f: {  	_ =	shalt  }
0x40: {  	_ =	shalt  }
0x41: {  	_ =	shalt  }
0x42: {  	_ =	shalt  }
0x43: {  	_ =	shalt  }
0x44: {  	_ =	shalt  }
0x45: {  	_ =	shalt  }
0x46: {  	_ =	shalt  }
0x47: {  	_ =	shalt  }
0x48: {  	_ =	shalt  }
0x49: {  	_ =	shalt  }
0x4a: {  	_ =	shalt  }
0x4b: {  	_ =	shalt  }
0x4c: {  	_ =	shalt  }
0x4d: {  	_ =	shalt  }
0x4e: {  	_ =	shalt  }
0x4f: {  	_ =	shalt  }
0x50: {  	_ =	shalt  }
0x51: {  	_ =	shalt  }
0x52: {  	_ =	shalt  }
0x53: {  	_ =	shalt  }
0x54: {  	_ =	shalt  }
0x55: {  	_ =	shalt  }
0x56: {  	_ =	shalt  }
0x57: {  	_ =	shalt  }
0x58: {  	_ =	shalt  }
0x59: {  	_ =	shalt  }
0x5a: {  	_ =	shalt  }
0x5b: {  	_ =	shalt  }
0x5c: {  	_ =	shalt  }
0x5d: {  	_ =	shalt  }
0x5e: {  	_ =	shalt  }
0x5f: {  	_ =	shalt  }
0x60: {  	_ =	shalt  }
0x61: {  	_ =	shalt  }
0x62: {  	_ =	shalt  }
0x63: {  	_ =	shalt  }
0x64: {  	_ =	shalt  }
0x65: {  	_ =	shalt  }
0x66: {  	_ =	shalt  }
0x67: {  	_ =	shalt  }
0x68: {  	_ =	shalt  }
0x69: {  	_ =	shalt  }
0x6a: {  	_ =	shalt  }
0x6b: {  	_ =	shalt  }
0x6c: {  	_ =	shalt  }
0x6d: {  	_ =	shalt  }
0x6e: {  	_ =	shalt  }
0x6f: {  	_ =	shalt  }
0x70: {  	_ =	shalt  }
0x71: {  	_ =	shalt  }
0x72: {  	_ =	shalt  }
0x73: {  	_ =	shalt  }
0x74: {  	_ =	shalt  }
0x75: {  	_ =	shalt  }
0x76: {  	_ =	shalt  }
0x77: {  	_ =	shalt  }
0x78: {  	_ =	shalt  }
0x79: {  	_ =	shalt  }
0x7a: {  	_ =	shalt  }
0x7b: {  	_ =	shalt  }
0x7c: {  	_ =	shalt  }
0x7d: {  	_ =	shalt  }
0x7e: {  	_ =	shalt  }
0x7f: {  	_ =	shalt  }
0x80: {  	_ =	shalt  }
0x81: {  	_ =	shalt  }
0x82: {  	_ =	shalt  }
0x83: {  	_ =	shalt  }
0x84: {  	_ =	shalt  }
0x85: {  	_ =	shalt  }
0x86: {  	_ =	shalt  }
0x87: {  	_ =	shalt  }
.Lfunc_end0:
.L_simem_size_0:
called_computation_lowered:
.L_overlay_start_0:
0x88: {  	s2 =	sld [smem:$0x3FD9]  }
0x89: {  	s3 =	sld [smem:$0x3FFE];
	_ =	sdelay $0x1  }
0x8a: {  	s1 =	srdreg.scid  }
0x8b: {  	s0 =	sand.u32 $0x1, s1  }
0x8c: {  	s17 =	sshll.u32 s0, $0xA;
	s2 =	sadd.s32 s3, s2  }
0x8d: {  	s2 =	sadd.s32 s2, s17  }
0x8e: {  	[smem:$0x3FC3] =	sst s2  }
0x8f: {  	_ = 	snop  }
0x90: {  	s2 =	sld [smem:$0x3FD0];
	(tm) =	ssettm $0x1  }
0x91: {  	s18 =	sld [smem:$0x3FFB];
	_ =	sdelay $0x3  }
0x92: {  	_ =	strace s18  }
0x93: {  	s3 =	sld [smem:$0x3FFC];
	_ =	sdelay $0x3  }
0x94: {  	_ =	strace s3  }
0x95: {  	s3 =	sld [smem:$0x3FFD];
	_ =	sdelay $0x3  }
0x96: {  	_ =	strace s3  }
0x97: {  	_ =	strace $0x8FFFFFFF  }
0x98: {  	s19 =	sld [smem:$0x3FDB];
	_ =	sdelay $0x1  }
0x99: {  	s4 =	simm.s32 $_scs_section_size  }
0x9a: {  	s5 =	simm.s32 $_size__tile_overlayer_lowered;
	s6 =	simm.s32 $_tile_overlayer_lowered  }
0x9b: {  	s22 =	simm.s32 $0x1BFF;
	s21 =	sshll.u32 s6, $0x1;
	s3 =	sadd.s32 s4, s19  }
0x9c: {  	s7 =	simm.s32 $0x0;
	s20 =	sshll.u32 s5, $0x1;
	s5 =	sadd.s32 s21, s3  }
0x9d: {  	[timem:s7], [sflag:s22] =	dma.local [hbm:s5], s20  }
0x9e: {  	_ =	swait.ge [sflag:s22], s20  }
0x9f: {  	s4 =	ssub.s32 $0x0, s20;
	[sflag:s22] =	ssyncset.done $0x0  }
0xa0: {  	[sflag:s22] =	ssyncadd.s32 s4;
	_ =	sdelay $0x1  }
0xa1: {  	s23 =	simm.s32 $0x1B8B  }
0xa2: {  	_ =	swait.ge [sflag:s23], $0x1  }
0xa3: {  	[sflag:s23] =	ssyncset.done $0x0  }
0xa4: {  	s25 =	simm.s32 $0x1B8E;
	s24 =	sld [smem:$0x3FFE];
	[sflag:s23] =	ssyncadd.s32 $0xFFFFFFFF  }
0xa5: {  	s26 =	simm.s32 $execute0_lowered;
	[smem:$0x3FD2] =	sst s25  }
0xa6: {  	s5 =	sshll.u32 s26, $0x1;
	_ =	strace $0x80000046;
	[dreg:$0x1] =	wrdreg $0xFFFFFFFF  }
0xa7: {  	s28 =	simm.s32 $_size_execute0_lowered;
	s3 =	sadd.s32 s3, s5;
	[dreg:$0x0] =	wrdreg $0x0  }
0xa8: {  	s5 =	sshll.u32 s28, $0x1;
	[dreg:$0x2] =	wrdreg s3  }
0xa9: {  	[dreg:$0x3] =	wrdreg s5  }
0xaa: {  	[dreg:$0x4] =	wrdreg $0xC0  }
0xab: {  	_ =	task [dreg:s7], $0x5FFFF  }
0xac: {  	[dreg:$0x1] =	wrdreg $0xFFFFFFFF  }
0xad: {  	[dreg:$0x0] =	wrdreg $0x60  }
0xae: {  	[dreg:$0x2] =	wrdreg s24  }
0xaf: {  	[dreg:$0x3] =	wrdreg s2  }
0xb0: {  	[dreg:$0x4] =	wrdreg $0x145000  }
0xb1: {  	[dreg:$0x5] =	wrdreg $0x9  }
0xb2: {  	_ =	task.clear_ibuf [dreg:s7], $0x6FFFF;
	_ =	strace $0x90000046  }
0xb3: {  	s29 =	simm.s32 $0x9;
	_ =	strace $0x80000048  }
0xb4: {  	_ =	swait.ge [sflag:s29], $0x1  }
0xb5: {  	[sflag:s29] =	ssyncadd.s32 $0xFFFFFFFF  }
0xb6: {  	_ =	strace $0x90000048  }
0xb7: {  	_ =	sfence  }
0xb8: {  	s30 =	sld [smem:$0x0];
	_ =	sdelay $0x2  }
0xb9: {  	s31 =	sshll.u32 s1, $0xD;
	s1 =	sshrl.u32 s1, $0x2  }
0xba: {  	s3 =	sand.u32 $0x4000, s31;
	s1 =	sadd.s32 s1, s30  }
0xbb: {  	s0 =	sor.u32 s3, s0;
	s1 =	sshll.u32 s1, $0x11  }
0xbc: {  	s0 =	sor.u32 s1, s0  }
0xbd: {  	s0 =	sadd.s32 $0x8F2B, s0  }
0xbe: {  	[sflag:s0] =	ssyncadd.remote.s32 $0x1  }
0xbf: {  	_ =	sfence.sel $0xFFFF  }
0xc0: {  	[dreg:$0x0] =	wrdreg $0xFFFFFFFF;
	(pc) =	sbr.abs _section_cstart, $3  }
0xc1: {  	[dreg:$0x1] =	wrdreg $0xFFFFFFFF  }
0xc2: {  	_ =	task.clear_ibuf [dreg:s7], $0x2FFFF;
	_ =	strace $0x9FFFFFFF  }
0xc3: {  	(tm) =	ssettm $0x7FFFFFFF  }
tec
execute0_lowered:
.L_overlay_start_1:
0x0: {  	(tag) =	ssettag $0x1  }
0x1: {  	s0 =	rddreg [dreg:$0x0]  }
0x2: {  	s1 =	rddreg [dreg:$0x1]  }
0x3: {  	s2 =	rddreg [dreg:$0x2];
	s10 =	stileid.u32  }
0x4: {  	s3 =	simm.s32 $0x0;
	s4 =	srdreg.scid;
	s28 =	simm.s32 $0xBD00  }
0x5: {  	s30 =	simm.s32 $0xDD00;
	s29 =	simm.s32 $0x3;
	s31 =	simm.s32 $0x4  }
0x6: {  	s5 =	smul.u32 $0x4E80, s10;
	[smem:$0x7FF] =	sst s3;
	s6 =	sand.u32 $0x1, s4  }
0x7: {  	s7 =	smul.u32 $0x280, s10;
	s4 =	sadd.s32 $0xB000, s0;
	s11 =	sadd.s32 $0x143800, s0  }
0x8: {  	s16 =	sadd.s32 $0x143C00, s0;
	_ =	strace $0x80000047;
	[dreg:$0x4] =	wrdreg s11  }
0x9: {  	s9 =	smul.u32 $0x2800, s6;
	[dreg:$0x5] =	wrdreg s16;
	s17 =	sshll.u32 s6, $0x4  }
0xa: {  	s19 =	ssub.s32 $0x2, s6;
	s12 =	smul.u32 $0x4E800, s6;
	p0 =	sne.s32 s6, $0x0  }
0xb: {  	p1 =	seq.s32 s6, $0x0;
	s8 =	sshrl.u32 s5, $0x3;
	s20 =	sshrl.u32 s19, $0x1  }
0xc: {  	s8 =	sadd.s32 s8, s0;
	s7 =	sadd.s32 s7, s9;
	s9 =	sor.u32 s10, s17  }
0xd: {  	s10 =	smul.u32 $0x28000, s10;
	s14 =	ssub.s32 s19, s20;
	s5 =	sadd.s32 s5, s12  }
0xe: {  	s7 =	sshll.u32 s7, $0x3;
	s18 =	smul.u32 $0x500, s9;
	s8 =	sadd.s32 $0x1200, s8  }
0xf: {  	s5 =	sshrl.u32 s5, $0x3;
	s26 =	smax.u32 s14, $0x1;
	s13 =	sadd.s32 s7, s0  }
0x10: {  	s10 =	sshrl.u32 s10, $0x2;
	[dreg:$0x6] =	wrdreg s8;
	s1 =	sadd.s32 s1, s5  }
0x11: {  	[dreg:$0xe] =	wrdreg s26;
	s26 =	simm.s32 $0x80;
	s5 =	simm.s32 $0x0  }
0x12: {  	s0 =	sadd.s32 s18, s0;
	s7 =	sadd.s32 s10, s2;
	s21 =	sadd.s32 $0x14E200, s13  }
0x13: {  	s22 =	sadd.s32 $0x14E600, s13;
	[dreg:$0x9] =	wrdreg s1;
	s23 =	sadd.s32 $0x14EA00, s13  }
0x14: {  	s24 =	sadd.s32 $0x14EE00, s13;
	s25 =	sadd.s32 $0x14F200, s13;
	[dreg:$0x7] =	wrdreg s21  }
0x15: {  	s13 =	simm.s32 $0x11D00;
	s1 =	simm.s32 $0x1;
	[dreg:$0x8] =	wrdreg s22  }
.Ltmp0:
0x16: {  	s9 =	sadd.s32 $0x2000, s7;
	[dreg:$0xa] =	wrdreg s23;
	(pc) =	sbr.rel .LBB2_1-.Ltmp0, $4  }
0x17: {  	s10 =	sadd.s32 $0x4000, s7;
	s11 =	sadd.s32 $0x6000, s7;
	[dreg:$0xb] =	wrdreg s24  }
0x18: {  	s12 =	sadd.s32 $0x8000, s7;
	s0 =	sadd.s32 $0x144200, s0;
	[dreg:$0xd] =	wrdreg s25  }
0x19: {  	s22 =	simm.s32 $0x9D00;
	s23 =	simm.s32 $0x6;
	s25 =	simm.s32 $0x2  }
0x1a: {  	s21 =	simm.s32 $0x5;
	[dreg:$0xc] =	wrdreg s0;
	s0 =	simm.s32 $0xFD00  }
.LBB2_6:
0x1b: {  	[bflag:$0x0] =	sbarrier.arrive $0xFFFF  }
0x1c: {  	[tilespmem:s22], [sflag:$0x6] =	stream.linear.gather [spmem:s7], $0x2000, $0x38;
	[tilespmem:$0x1E500] =	vst v63  }
0x1d: {  	_ =	swait.ge [sflag:s23], $0x2000  }
0x1e: {  	[sflag:s23] =	ssyncset.done $0x0  }
0x1f: {  	s6 =	rddreg [dreg:$0x7];
	[sflag:s23] =	ssyncadd.s32 $0xFFFFE000  }
0x20: {  	[hbm4b:s6+s3] =	stream.linear.scatter [tilespmem:s22], [sflag:$0x1], $0x2000, $0x38;
	[tilespmem:$0x1E500] =	vst v63  }
0x21: {  	_ = 	snop  }
0x22: {  	[tilespmem:s28], [sflag:$0x6] =	stream.linear.gather [spmem:s9], $0x2000, $0x38;
	[tilespmem:$0x1E500] =	vst v63  }
0x23: {  	_ =	swait.ge [sflag:s23], $0x2000  }
0x24: {  	[sflag:s23] =	ssyncset.done $0x0  }
0x25: {  	s16 =	rddreg [dreg:$0x8];
	[sflag:s23] =	ssyncadd.s32 $0xFFFFE000  }
0x26: {  	[hbm4b:s16+s3] =	stream.linear.scatter [tilespmem:s28], [sflag:$0x2], $0x2000, $0x38;
	[tilespmem:$0x1E500] =	vst v63  }
0x27: {  	_ = 	snop  }
0x28: {  	[tilespmem:s30], [sflag:$0x6] =	stream.linear.gather [spmem:s10], $0x2000, $0x38;
	[tilespmem:$0x1E500] =	vst v63  }
0x29: {  	_ =	swait.ge [sflag:s23], $0x2000  }
0x2a: {  	[sflag:s23] =	ssyncset.done $0x0  }
0x2b: {  	s17 =	rddreg [dreg:$0xa];
	[sflag:s23] =	ssyncadd.s32 $0xFFFFE000  }
0x2c: {  	[hbm4b:s17+s3] =	stream.linear.scatter [tilespmem:s30], [sflag:$0x3], $0x2000, $0x38;
	[tilespmem:$0x1E500] =	vst v63  }
0x2d: {  	_ = 	snop  }
0x2e: {  	[tilespmem:s0], [sflag:$0x6] =	stream.linear.gather [spmem:s11], $0x2000, $0x38;
	[tilespmem:$0x1E500] =	vst v63  }
0x2f: {  	_ =	swait.ge [sflag:s23], $0x2000  }
0x30: {  	[sflag:s23] =	ssyncset.done $0x0  }
0x31: {  	s18 =	rddreg [dreg:$0xb];
	[sflag:s23] =	ssyncadd.s32 $0xFFFFE000  }
0x32: {  	[hbm4b:s18+s3] =	stream.linear.scatter [tilespmem:s0], [sflag:$0x4], $0x2000, $0x38;
	[tilespmem:$0x1E500] =	vst v63  }
0x33: {  	s13 =	simm.s32 $0x11D00;
	s19 =	rddreg [dreg:$0xc]  }
0x34: {  	[hbm4b:s19+s3] =	stream.linear.scatter [tilespmem:s13], [sflag:$0x5], $0x2800, $0x38;
	[tilespmem:$0x1E500] =	vst v63  }
0x35: {  	_ =	swait.ge [sflag:s1], $0x2000  }
0x36: {  	[sflag:s1] =	ssyncset.done $0x0  }
0x37: {  	[sflag:s1] =	ssyncadd.s32 $0xFFFFE000  }
0x38: {  	[tilespmem:s22], [sflag:$0x6] =	stream.linear.gather [spmem:s12], $0x2000, $0x38;
	[tilespmem:$0x1E500] =	vst v63  }
0x39: {  	_ =	swait.ge [sflag:s23], $0x2000  }
0x3a: {  	[sflag:s23] =	ssyncset.done $0x0  }
0x3b: {  	s20 =	rddreg [dreg:$0xd];
	[sflag:s23] =	ssyncadd.s32 $0xFFFFE000  }
0x3c: {  	[hbm4b:s20+s3] =	stream.linear.scatter [tilespmem:s22], [sflag:$0x1], $0x2000, $0x38;
	[tilespmem:$0x1E500] =	vst v63  }
0x3d: {  	_ =	swait.ge [sflag:s25], $0x2000  }
0x3e: {  	[sflag:s25] =	ssyncset.done $0x0  }
0x3f: {  	[sflag:s25] =	ssyncadd.s32 $0xFFFFE000  }
0x40: {  	_ =	swait.ge [sflag:s29], $0x2000  }
0x41: {  	[sflag:s29] =	ssyncset.done $0x0  }
0x42: {  	[sflag:s29] =	ssyncadd.s32 $0xFFFFE000  }
0x43: {  	_ =	swait.ge [sflag:s31], $0x2000  }
0x44: {  	[sflag:s31] =	ssyncset.done $0x0  }
0x45: {  	[sflag:s31] =	ssyncadd.s32 $0xFFFFE000  }
0x46: {  	_ =	swait.ge [sflag:s21], $0x2800  }
0x47: {  	[sflag:s21] =	ssyncset.done $0x0  }
0x48: {  	[sflag:s21] =	ssyncadd.s32 $0xFFFFD800  }
0x49: {  	_ =	swait.ge [sflag:s1], $0x2000  }
0x4a: {  	s5 =	sadd.s32 $0x1, s5;
	s24 =	rddreg [dreg:$0xe]  }
0x4b: {  	p2 =	sne.s32 s5, s24  }
.Ltmp1:
0x4c: {  	_ = 	snop;
	(pc) =	sbr.rel @!p2 .LBB2_7-.Ltmp1, $3  }
0x4d: {  	_ =	sdelay $0x1  }
0x4e: {  	[sflag:s1] =	ssyncset.done $0x0  }
0x4f: {  	[sflag:s1] =	ssyncadd.s32 $0xFFFFE000  }
.LBB2_1:
0x50: {  	s6 =	rddreg [dreg:$0x9]  }
0x51: {  	[tilespmem:s3], [sflag:$0x1] =	stream.linear.gather [hbm4b:s6+s3], $0x4E80, $0x38;
	[tilespmem:$0x1E500] =	vst v63  }
0x52: {  	s17 =	rddreg [dreg:$0x6];
	s8 =	simm.s32 $0x4E80  }
0x53: {  	[tilespmem:s8], [sflag:$0x2] =	stream.linear.gather [hbm4b:s17+s3], $0x4E80, $0x38;
	[tilespmem:$0x1E500] =	vst v63  }
0x54: {  	s18 =	rddreg [dreg:$0x4]  }
0x55: {  	[tilespmem:s22], [sflag:$0x6] =	stream.linear.gather [hbm4b:s18+s3], $0x2000, $0x38;
	[tilespmem:$0x1E500] =	vst v63  }
0x56: {  	_ =	swait.ge [sflag:s23], $0x2000  }
0x57: {  	[sflag:s23] =	ssyncset.done $0x0  }
0x58: {  	s19 =	rddreg [dreg:$0x5];
	[sflag:s23] =	ssyncadd.s32 $0xFFFFE000  }
0x59: {  	[tilespmem:s13], [sflag:$0x6] =	stream.linear.gather [hbm4b:s19+s3], $0x2800, $0x38;
	[tilespmem:$0x1E500] =	vst v63  }
0x5a: {  	_ =	swait.ge [sflag:s23], $0x2800  }
0x5b: {  	[sflag:s23] =	ssyncset.done $0x0  }
0x5c: {  	[sflag:s23] =	ssyncadd.s32 $0xFFFFD800  }
0x5d: {  	[spmem:s7] =	stream.linear.scatter [tilespmem:s22], [sflag:$0x6], $0x2000, $0x38;
	[tilespmem:$0x1E500] =	vst v63  }
0x5e: {  	_ =	swait.ge [sflag:s23], $0x2000  }
0x5f: {  	[sflag:s23] =	ssyncset.done $0x0  }
0x60: {  	[sflag:s23] =	ssyncadd.s32 $0xFFFFE000  }
0x61: {  	[spmem:s9] =	stream.linear.scatter [tilespmem:s22], [sflag:$0x6], $0x2000, $0x38;
	[tilespmem:$0x1E500] =	vst v63  }
0x62: {  	_ =	swait.ge [sflag:s23], $0x2000  }
0x63: {  	[sflag:s23] =	ssyncset.done $0x0  }
0x64: {  	[sflag:s23] =	ssyncadd.s32 $0xFFFFE000  }
0x65: {  	[spmem:s10] =	stream.linear.scatter [tilespmem:s22], [sflag:$0x6], $0x2000, $0x38;
	[tilespmem:$0x1E500] =	vst v63  }
0x66: {  	_ =	swait.ge [sflag:s23], $0x2000  }
0x67: {  	[sflag:s23] =	ssyncset.done $0x0  }
0x68: {  	[sflag:s23] =	ssyncadd.s32 $0xFFFFE000  }
0x69: {  	[spmem:s11] =	stream.linear.scatter [tilespmem:s22], [sflag:$0x6], $0x2000, $0x38;
	[tilespmem:$0x1E500] =	vst v63  }
0x6a: {  	_ =	swait.ge [sflag:s23], $0x2000  }
0x6b: {  	[sflag:s23] =	ssyncset.done $0x0  }
0x6c: {  	[sflag:s23] =	ssyncadd.s32 $0xFFFFE000  }
0x6d: {  	[spmem:s12] =	stream.linear.scatter [tilespmem:s22], [sflag:$0x6], $0x2000, $0x38;
	[tilespmem:$0x1E500] =	vst v63  }
0x6e: {  	_ =	swait.ge [sflag:s23], $0x2000  }
0x6f: {  	[sflag:s23] =	ssyncset.done $0x0  }
0x70: {  	[sflag:s23] =	ssyncadd.s32 $0xFFFFE000  }
0x71: {  	_ =	swait.ge [sflag:s1], $0x4E80  }
0x72: {  	[sflag:s1] =	ssyncset.done $0x0  }
0x73: {  	[sflag:s1] =	ssyncadd.s32 $0xFFFFB180  }
0x74: {  	_ =	swait.ge [sflag:s25], $0x4E80  }
0x75: {  	[sflag:s25] =	ssyncset.done $0x0  }
0x76: {  	[sflag:s25] =	ssyncadd.s32 $0xFFFFB180  }
0x77: {  	[bflag:$0x0] =	sbarrier.arrive $0xFFFF  }
0x78: {  	[tilespmem:s22], [sflag:$0x1] =	stream.indirect.gather [hbm4b:s4+s26], $0x40, s3, s26, $0xb8;
	[tilespmem:$0x1E500] =	vst v63  }
0x79: {  	_ = 	snop  }
0x7a: {  	[tilespmem:s28], [sflag:$0x2] =	stream.indirect.gather [hbm4b:s4+s26], $0x40, s26, s26, $0xb8;
	[tilespmem:$0x1E500] =	vst v63  }
.Ltmp2:
0x7b: {  	_ = 	snop;
	(pc) =	sbr.rel .LBB2_2-.Ltmp2, $4  }
0x7c: {  	s20 =	simm.s32 $0x100;
	s24 =	simm.s32 $0x180  }
0x7d: {  	[tilespmem:s30], [sflag:$0x3] =	stream.indirect.gather [hbm4b:s4+s26], $0x40, s20, s26, $0xb8;
	[tilespmem:$0x1E500] =	vst v63  }
0x7e: {  	s6 =	simm.s32 $0x1;
	s8 =	simm.s32 $0x0;
	s13 =	simm.s32 $0x0  }
0x7f: {  	[tilespmem:s0], [sflag:$0x4] =	stream.indirect.gather [hbm4b:s4+s26], $0x40, s24, s26, $0xb8;
	[tilespmem:$0x1E500] =	vst v63  }
.LBB2_5:
0x80: {  	s8 =	sadd.s32 $0x800, s8  }
0x81: {  	p2 =	sne.s32 s8, $0x14000  }
.Ltmp3:
0x82: {  	_ = 	snop;
	(pc) =	sbr.rel @!p2 .LBB2_6-.Ltmp3, $2  }
0x83: {  	_ =	sdelay $0x2  }
0x84: {  	s13 =	sadd.s32 $0x1, s13;
	s6 =	sadd.s32 $0x4, s6  }
.LBB2_2:
0x85: {  	_ =	swait.ge [sflag:s1], $0x2000  }
0x86: {  	s14 =	sshra.s32 s8, $0x2;
	[sflag:s1] =	ssyncset.done $0x0  }
0x87: {  	s15 =	sadd.s32 $0x4E80, s14;
	[sflag:s1] =	ssyncadd.s32 $0xFFFFE000  }
0x88: {  	[spmem:s2] =	stream.indirect.scatter.add.f32 [tilespmem:s22], [sflag:$0x5], $0x40, s15, s26, $0xb8;
	[tilespmem:$0x1E500] =	vst v63  }
0x89: {  	s15 =	sshra.s32 @!p0 s8, $0x2  }
0x8a: {  	v0 =	vld @!p0 [tilespmem:s15+$0x4E80];
	_ =	sdelay $0x6  }
0x8b: {  	v1 =	vimm.f32 @!p0 $1.000000000e+00;
	s16 =	simm.s32 @!p0 $0x11D00  }
0x8c: {  	[tilespmem:v0+s16+$0x0] =	vst.idx.add.f32.msk @!p0 $0xffff, v1  }
0x8d: {  	v0 =	vld @!p0 [tilespmem:s15+$0x4E90];
	_ =	sdelay $0x7  }
0x8e: {  	[tilespmem:v0+s16+$0x0] =	vst.idx.add.f32.msk @!p0 $0xffff, v1  }
0x8f: {  	v0 =	vld @!p0 [tilespmem:s15+$0x4EA0];
	_ =	sdelay $0x7  }
0x90: {  	[tilespmem:v0+s16+$0x0] =	vst.idx.add.f32.msk @!p0 $0xffff, v1  }
0x91: {  	v0 =	vld @!p0 [tilespmem:s15+$0x4EB0];
	_ =	sdelay $0x7  }
0x92: {  	[tilespmem:v0+s16+$0x0] =	vst.idx.add.f32.msk @!p0 $0xffff, v1  }
0x93: {  	v0 =	vld @!p0 [tilespmem:s15+$0x4EC0];
	_ =	sdelay $0x7  }
0x94: {  	[tilespmem:v0+s16+$0x0] =	vst.idx.add.f32.msk @!p0 $0xffff, v1  }
0x95: {  	v0 =	vld @!p0 [tilespmem:s15+$0x4ED0];
	_ =	sdelay $0x7  }
0x96: {  	[tilespmem:v0+s16+$0x0] =	vst.idx.add.f32.msk @!p0 $0xffff, v1  }
0x97: {  	v0 =	vld @!p0 [tilespmem:s15+$0x4EE0];
	_ =	sdelay $0x7  }
0x98: {  	[tilespmem:v0+s16+$0x0] =	vst.idx.add.f32.msk @!p0 $0xffff, v1  }
0x99: {  	v0 =	vld @!p0 [tilespmem:s15+$0x4EF0];
	_ =	sdelay $0x5  }
0x9a: {  	p2 =	seq.s32 s8, $0x13800  }
.Ltmp4:
0x9b: {  	_ = 	snop;
	(pc) =	sbr.rel @p2 .LBB2_6-.Ltmp4, $4  }
0x9c: {  	[tilespmem:v0+s16+$0x0] =	vst.idx.add.f32.msk @!p0 $0xffff, v1  }
0x9d: {  	_ =	swait.ge [sflag:s21], $0x2000  }
0x9e: {  	[sflag:s21] =	ssyncset.done $0x0  }
0x9f: {  	[sflag:s21] =	ssyncadd.s32 $0xFFFFE000  }
0xa0: {  	p2 =	sgt.u32 s6, $0x9C  }
.Ltmp5:
0xa1: {  	_ = 	snop;
	(pc) =	sbr.rel @p2 .LBB2_5-.Ltmp5, $3  }
0xa2: {  	_ =	sdelay $0x1  }
0xa3: {  	s16 =	sadd.s32 $0x200, s14  }
0xa4: {  	[tilespmem:s22], [sflag:$0x1] =	stream.indirect.gather [hbm4b:s4+s26], $0x40, s16, s26, $0xb8;
	[tilespmem:$0x1E500] =	vst v63  }
0xa5: {  	_ =	swait.ge [sflag:s25], $0x2000  }
0xa6: {  	[sflag:s25] =	ssyncset.done $0x0  }
0xa7: {  	s16 =	sadd.s32 $0x4F00, s14;
	[sflag:s25] =	ssyncadd.s32 $0xFFFFE000  }
0xa8: {  	[spmem:s2] =	stream.indirect.scatter.add.f32 [tilespmem:s28], [sflag:$0x5], $0x40, s16, s26, $0xb8;
	[tilespmem:$0x1E500] =	vst v63  }
0xa9: {  	v0 =	vld @!p1 [tilespmem:s14+$0x4F00];
	_ =	sdelay $0x6  }
0xaa: {  	v1 =	vimm.f32 @!p1 $1.000000000e+00;
	s16 =	simm.s32 @!p1 $0x11D00  }
0xab: {  	s17 =	sshra.s32 @!p1 s8, $0x2;
	[tilespmem:v0+s16+$0x0] =	vst.idx.add.f32.msk @!p1 $0xffff, v1  }
0xac: {  	v0 =	vld @!p1 [tilespmem:s17+$0x4F10];
	_ =	sdelay $0x7  }
0xad: {  	[tilespmem:v0+s16+$0x0] =	vst.idx.add.f32.msk @!p1 $0xffff, v1  }
0xae: {  	v0 =	vld @!p1 [tilespmem:s17+$0x4F20];
	_ =	sdelay $0x7  }
0xaf: {  	[tilespmem:v0+s16+$0x0] =	vst.idx.add.f32.msk @!p1 $0xffff, v1  }
0xb0: {  	v0 =	vld @!p1 [tilespmem:s17+$0x4F30];
	_ =	sdelay $0x7  }
0xb1: {  	[tilespmem:v0+s16+$0x0] =	vst.idx.add.f32.msk @!p1 $0xffff, v1  }
0xb2: {  	v0 =	vld @!p1 [tilespmem:s17+$0x4F40];
	_ =	sdelay $0x7  }
0xb3: {  	[tilespmem:v0+s16+$0x0] =	vst.idx.add.f32.msk @!p1 $0xffff, v1  }
0xb4: {  	v0 =	vld @!p1 [tilespmem:s17+$0x4F50];
	_ =	sdelay $0x7  }
0xb5: {  	[tilespmem:v0+s16+$0x0] =	vst.idx.add.f32.msk @!p1 $0xffff, v1  }
0xb6: {  	v0 =	vld @!p1 [tilespmem:s17+$0x4F60];
	_ =	sdelay $0x7  }
0xb7: {  	[tilespmem:v0+s16+$0x0] =	vst.idx.add.f32.msk @!p1 $0xffff, v1  }
0xb8: {  	v0 =	vld @!p1 [tilespmem:s17+$0x4F70];
	_ =	sdelay $0x7  }
0xb9: {  	[tilespmem:v0+s16+$0x0] =	vst.idx.add.f32.msk @!p1 $0xffff, v1  }
0xba: {  	p2 =	sgt.u32 s13, $0x25;
	_ =	swait.ge [sflag:s21], $0x2000  }
0xbb: {  	s18 =	sshra.s32 @!p2 s8, $0x2;
	s24 =	simm.s32 @!p2 $0x80;
	[sflag:s21] =	ssyncset.done $0x0  }
0xbc: {  	s20 =	simm.s32 @!p2 $0xBD00;
	s19 =	sadd.s32 @!p2 $0x280, s18;
	[sflag:s21] =	ssyncadd.s32 $0xFFFFE000  }
0xbd: {  	[tilespmem:s20], [sflag:$0x2] =	stream.indirect.gather @!p2 [hbm4b:s4+s24], $0x40, s19, s24, $0xb8;
	[tilespmem:$0x1E500] =	vst v63  }
0xbe: {  	_ =	swait.ge [sflag:s29], $0x2000  }
0xbf: {  	[sflag:s29] =	ssyncset.done $0x0  }
0xc0: {  	s20 =	sadd.s32 $0x4F80, s14;
	[sflag:s29] =	ssyncadd.s32 $0xFFFFE000  }
0xc1: {  	[spmem:s2] =	stream.indirect.scatter.add.f32 [tilespmem:s30], [sflag:$0x5], $0x40, s20, s26, $0xb8;
	[tilespmem:$0x1E500] =	vst v63  }
0xc2: {  	v0 =	vld @!p0 [tilespmem:s14+$0x4F80];
	_ =	sdelay $0x6  }
0xc3: {  	v2 =	vimm.f32 @!p0 $1.000000000e+00;
	s19 =	simm.s32 @!p0 $0x11D00  }
0xc4: {  	[tilespmem:v0+s19+$0x0] =	vst.idx.add.f32.msk @!p0 $0xffff, v2  }
0xc5: {  	v0 =	vld @!p0 [tilespmem:s15+$0x4F90];
	_ =	sdelay $0x7  }
0xc6: {  	[tilespmem:v0+s19+$0x0] =	vst.idx.add.f32.msk @!p0 $0xffff, v2  }
0xc7: {  	v0 =	vld @!p0 [tilespmem:s15+$0x4FA0];
	_ =	sdelay $0x7  }
0xc8: {  	[tilespmem:v0+s19+$0x0] =	vst.idx.add.f32.msk @!p0 $0xffff, v2  }
0xc9: {  	v0 =	vld @!p0 [tilespmem:s15+$0x4FB0];
	_ =	sdelay $0x7  }
0xca: {  	[tilespmem:v0+s19+$0x0] =	vst.idx.add.f32.msk @!p0 $0xffff, v2  }
0xcb: {  	v0 =	vld @!p0 [tilespmem:s15+$0x4FC0];
	_ =	sdelay $0x7  }
0xcc: {  	[tilespmem:v0+s19+$0x0] =	vst.idx.add.f32.msk @!p0 $0xffff, v2  }
0xcd: {  	v0 =	vld @!p0 [tilespmem:s15+$0x4FD0];
	_ =	sdelay $0x7  }
0xce: {  	[tilespmem:v0+s19+$0x0] =	vst.idx.add.f32.msk @!p0 $0xffff, v2  }
0xcf: {  	v0 =	vld @!p0 [tilespmem:s15+$0x4FE0];
	_ =	sdelay $0x7  }
0xd0: {  	[tilespmem:v0+s19+$0x0] =	vst.idx.add.f32.msk @!p0 $0xffff, v2  }
0xd1: {  	v0 =	vld @!p0 [tilespmem:s15+$0x4FF0];
	_ =	sdelay $0x7  }
0xd2: {  	[tilespmem:v0+s19+$0x0] =	vst.idx.add.f32.msk @!p0 $0xffff, v2  }
0xd3: {  	_ =	swait.ge [sflag:s21], $0x2000  }
0xd4: {  	[sflag:s21] =	ssyncset.done $0x0  }
0xd5: {  	s15 =	sadd.s32 @!p2 $0x300, s18;
	s19 =	simm.s32 @!p2 $0xDD00;
	[sflag:s21] =	ssyncadd.s32 $0xFFFFE000  }
0xd6: {  	[tilespmem:s19], [sflag:$0x3] =	stream.indirect.gather @!p2 [hbm4b:s4+s24], $0x40, s15, s24, $0xb8;
	[tilespmem:$0x1E500] =	vst v63  }
0xd7: {  	_ =	swait.ge [sflag:s31], $0x2000  }
0xd8: {  	[sflag:s31] =	ssyncset.done $0x0  }
0xd9: {  	s20 =	sadd.s32 $0x5000, s14;
	[sflag:s31] =	ssyncadd.s32 $0xFFFFE000  }
0xda: {  	[spmem:s2] =	stream.indirect.scatter.add.f32 [tilespmem:s0], [sflag:$0x5], $0x40, s20, s26, $0xb8;
	[tilespmem:$0x1E500] =	vst v63  }
0xdb: {  	v0 =	vld @!p1 [tilespmem:s14+$0x5000];
	_ =	sdelay $0x7  }
0xdc: {  	[tilespmem:v0+s16+$0x0] =	vst.idx.add.f32.msk @!p1 $0xffff, v1  }
0xdd: {  	v0 =	vld @!p1 [tilespmem:s17+$0x5010];
	_ =	sdelay $0x7  }
0xde: {  	[tilespmem:v0+s16+$0x0] =	vst.idx.add.f32.msk @!p1 $0xffff, v1  }
0xdf: {  	v0 =	vld @!p1 [tilespmem:s17+$0x5020];
	_ =	sdelay $0x7  }
0xe0: {  	[tilespmem:v0+s16+$0x0] =	vst.idx.add.f32.msk @!p1 $0xffff, v1  }
0xe1: {  	v0 =	vld @!p1 [tilespmem:s17+$0x5030];
	_ =	sdelay $0x7  }
0xe2: {  	[tilespmem:v0+s16+$0x0] =	vst.idx.add.f32.msk @!p1 $0xffff, v1  }
0xe3: {  	v0 =	vld @!p1 [tilespmem:s17+$0x5040];
	_ =	sdelay $0x7  }
0xe4: {  	[tilespmem:v0+s16+$0x0] =	vst.idx.add.f32.msk @!p1 $0xffff, v1  }
0xe5: {  	v0 =	vld @!p1 [tilespmem:s17+$0x5050];
	_ =	sdelay $0x7  }
0xe6: {  	[tilespmem:v0+s16+$0x0] =	vst.idx.add.f32.msk @!p1 $0xffff, v1  }
0xe7: {  	v0 =	vld @!p1 [tilespmem:s17+$0x5060];
	_ =	sdelay $0x7  }
0xe8: {  	[tilespmem:v0+s16+$0x0] =	vst.idx.add.f32.msk @!p1 $0xffff, v1  }
0xe9: {  	v0 =	vld @!p1 [tilespmem:s17+$0x5070];
	_ =	sdelay $0x7  }
.Ltmp6:
0xea: {  	[tilespmem:v0+s16+$0x0] =	vst.idx.add.f32.msk @!p1 $0xffff, v1;
	(pc) =	sbr.rel .LBB2_5-.Ltmp6, $4  }
0xeb: {  	_ =	swait.ge [sflag:s21], $0x2000  }
0xec: {  	[sflag:s21] =	ssyncset.done $0x0  }
0xed: {  	s15 =	simm.s32 @!p2 $0xFD00;
	s14 =	sadd.s32 @!p2 $0x380, s18;
	[sflag:s21] =	ssyncadd.s32 $0xFFFFE000  }
0xee: {  	[tilespmem:s15], [sflag:$0x4] =	stream.indirect.gather @!p2 [hbm4b:s4+s24], $0x40, s14, s24, $0xb8;
	[tilespmem:$0x1E500] =	vst v63  }
.LBB2_7:
0xef: {  	_ =	sfence.sel $0x180000  }
0xf0: {  	[bflag:$0x0] =	sbarrier.arrive $0xFFFF  }
0xf1: {  	_ =	strace $0x90000047  }
0xf2: {  	s0 =	stileid.u32;
	[bflag:$0x2] =	sbarrier.arrive $0xFFFF  }
0xf3: {  	p0 =	sne.s32 s0, $0x0;
	s0 =	rddreg [dreg:$0x3]  }
0xf4: {  	s0 =	sadd.s32 @!p0 $0x100000, s0  }
0xf5: {  	[sflag:s0] =	ssyncadd.tile.s32 @!p0 $0x1;
	_ =	shalt  }
.Lfunc_end2:
_tile_overlayer_lowered:
.L_overlay_start_2:
0xf6: {  	(tag) =	ssettag $0x2  }
0xf7: {  	s0 =	rddreg [dreg:$0x0];
	s2 =	stileid.u32  }
0xf8: {  	s1 =	rddreg [dreg:$0x1];
	p0 =	sne.s32 s2, $0x0  }
0xf9: {  	s3 =	rddreg [dreg:$0x2];
	[bflag:$0x3] =	sbarrier.arrive $0xFFFF;
	s2 =	simm.s32 @!p0 $0x1C06  }
0xfa: {  	[timem:s3], [sflag:s2] =	dma.local @!p0 [hbm:s0], s1  }
0xfb: {  	s0 =	simm.s32 @!p0 $0x6  }
0xfc: {  	_ =	swait.ge @!p0 [sflag:s0], s1  }
0xfd: {  	s1 =	ssub.s32 @!p0 $0x0, s1;
	[sflag:s0] =	ssyncset.done @!p0 $0x0  }
0xfe: {  	[sflag:s0] =	ssyncadd.s32 @!p0 s1  }
0xff: {  	[bflag:$0x3] =	sbarrier.arrive $0xFFFF  }
0x100: {  	_ =	shalt  }

</sc_bundles>
